<compile_context>
chip_gen: v7x
topology: tpu7x:2x2x1
jax: 0.10.2.dev20260603
libtpu: 0.0.44.dev20260713+nightly
codegen_flags: <defaults>
</compile_context>

<pallas_src>
import jax
import jax.numpy as jnp
from jax import lax
from jax.experimental import pallas as pl
from jax.experimental.pallas import tpu as pltpu
from jax.experimental.pallas import tpu_sc as plsc

B = 4096
T = 200
D = 64
H = T // 2
NW = 32
NB = B // NW
NG = 4
NO = 2
LANES = 16


def _emb_body(idx_hbm, tok_hbm, pos_hbm, out_hbm,
              idx_v, pos_v, g0, g1, g2, g3, o0, o1,
              gs0, gs1, gs2, gs3, ws0, ws1):
    cid = lax.axis_index("c")
    sid = lax.axis_index("s")
    wid = sid * 2 + cid
    batch_base = wid * NB

    pltpu.sync_copy(idx_hbm.at[pl.ds(batch_base * 2, 2 * NB)], idx_v)
    pltpu.sync_copy(pos_hbm, pos_v)

    gb = [g0, g1, g2, g3]
    ob = [o0, o1]
    gs = [gs0, gs1, gs2, gs3]
    ws = [ws0, ws1]

    def g_start(b, j):
        pltpu.async_copy(tok_hbm.at[idx_v.at[2 * b]],
                         gb[j].at[pl.ds(0, H)], gs[j])
        pltpu.async_copy(tok_hbm.at[idx_v.at[2 * b + 1]],
                         gb[j].at[pl.ds(H, H)], gs[j])

    def g_wait(b, j):
        pltpu.make_async_copy(tok_hbm.at[idx_v.at[2 * b]],
                              gb[j].at[pl.ds(0, H)], gs[j]).wait()
        pltpu.make_async_copy(tok_hbm.at[idx_v.at[2 * b + 1]],
                              gb[j].at[pl.ds(H, H)], gs[j]).wait()

    def w_start(b, k):
        row = (batch_base + b) * T
        pltpu.async_copy(ob[k], out_hbm.at[pl.ds(row, T)], ws[k])

    def w_wait(k):
        pltpu.make_async_copy(ob[k], out_hbm.at[pl.ds(0, T)], ws[k]).wait()

    def add_pos(j, k):
        def t_body(t, carry):
            for c in range(D // LANES):
                s = pl.ds(LANES * c, LANES)
                ob[k][t, s] = gb[j][t, s] + pos_v[t, s]
            return carry
        lax.fori_loop(0, T, t_body, 0, unroll=4)

    for j in range(NG):
        g_start(j, j)

    def outer(i, carry):
        for j in range(NG):
            b = NG * i + j
            k = j % NO

            g_wait(b, j)

            @pl.when(b >= NO)
            def _():
                w_wait(k)

            add_pos(j, k)
            w_start(b, k)

            @pl.when(b + NG < NB)
            def _():
                g_start(b + NG, j)
        return carry

    lax.fori_loop(0, NB // NG, outer, 0)

    for k in range(NO):
        w_wait(k)


@jax.jit
def _embed(idx2, tok, pos):
    kfn = pl.kernel(
        _emb_body,
        out_type=jax.ShapeDtypeStruct((B * T, D), jnp.float32),
        mesh=plsc.VectorSubcoreMesh(core_axis_name="c", subcore_axis_name="s"),
        compiler_params=pltpu.CompilerParams(use_tc_tiling_on_sc=False),
        scratch_types=[
            pltpu.VMEM((2 * NB, H), jnp.int32),
            pltpu.VMEM((T, D), jnp.float32),
            pltpu.VMEM((T, D), jnp.float32),
            pltpu.VMEM((T, D), jnp.float32),
            pltpu.VMEM((T, D), jnp.float32),
            pltpu.VMEM((T, D), jnp.float32),
            pltpu.VMEM((T, D), jnp.float32),
            pltpu.VMEM((T, D), jnp.float32),
            pltpu.SemaphoreType.DMA,
            pltpu.SemaphoreType.DMA,
            pltpu.SemaphoreType.DMA,
            pltpu.SemaphoreType.DMA,
            pltpu.SemaphoreType.DMA,
            pltpu.SemaphoreType.DMA,
        ],
    )
    return kfn(idx2, tok, pos)


def kernel(idx, token_embedding_table, position_embedding_table):
    idx2 = idx.astype(jnp.int32).reshape(B * 2, H)
    out = _embed(idx2, token_embedding_table, position_embedding_table)
    return out.reshape(B, T, D)

# --- scband reference (transcript-rebuilt; emitter-appended) ---
"""Pipeline reference for scband-embeddings-24678882083230 (READ-ONLY COPY).

The authoritative reference and input builder live on the scoring server;
editing this copy changes nothing except your own understanding.
"""

import jax, jax.numpy as jnp
import numpy as np

VOCAB_SIZE = 1000000
BLOCK_SIZE = 200
N_EMBD = 64
B = 4096
T = 200


def setup_inputs(seed: int = 0) -> dict:
    key = jax.random.key(seed)
    k_idx, k_tok, k_pos = jax.random.split(key, 3)
    idx = jax.random.randint(k_idx, (B, T), 0, VOCAB_SIZE, dtype=jnp.int64)
    token_embedding_table = jax.random.normal(k_tok, (VOCAB_SIZE, N_EMBD), dtype=jnp.float32) * 0.02
    position_embedding_table = jax.random.normal(k_pos, (BLOCK_SIZE, N_EMBD), dtype=jnp.float32) * 0.02
    return {
        "idx": idx,
        "token_embedding_table": token_embedding_table,
        "position_embedding_table": position_embedding_table,
    }


def reference(idx, token_embedding_table, position_embedding_table):
    # 1. Token embedding lookup: (B, T) -> (B, T, C)
    tok_emb = jnp.take(token_embedding_table, idx, axis=0)
    # 2. Position indices: (T,)
    positions = jnp.arange(idx.shape[1])
    # 3. Position embedding lookup: (T,) -> (T, C)
    pos_emb = jnp.take(position_embedding_table, positions, axis=0)
    # 4. Broadcast sum: (B, T, C)
    return tok_emb + pos_emb

if __name__ == "__main__":
    import jax
    _d = setup_inputs()
    print(jax.jit(kernel)(*tuple(_d.values())))

</pallas_src>

<mosaic_0001>
#map = affine_map<(d0, d1) -> (0, 0)>
module attributes {stable_mosaic.version = 14 : i64} {
  func.func @_emb_body(%arg0: i32, %arg1: i32, %arg2: memref<8192x100xi32, #tpu.memory_space<hbm>>, %arg3: memref<1000000x64xf32, #tpu.memory_space<hbm>>, %arg4: memref<200x64xf32, #tpu.memory_space<hbm>>, %arg5: memref<819200x64xf32, #tpu.memory_space<hbm>>, %arg6: memref<256x100xi32, #tpu.memory_space<vmem>>, %arg7: memref<200x64xf32, #tpu.memory_space<vmem>>, %arg8: memref<200x64xf32, #tpu.memory_space<vmem>>, %arg9: memref<200x64xf32, #tpu.memory_space<vmem>>, %arg10: memref<200x64xf32, #tpu.memory_space<vmem>>, %arg11: memref<200x64xf32, #tpu.memory_space<vmem>>, %arg12: memref<200x64xf32, #tpu.memory_space<vmem>>, %arg13: memref<200x64xf32, #tpu.memory_space<vmem>>, %arg14: memref<!tpu.dma_semaphore, #tpu.memory_space<semaphore_mem>>, %arg15: memref<!tpu.dma_semaphore, #tpu.memory_space<semaphore_mem>>, %arg16: memref<!tpu.dma_semaphore, #tpu.memory_space<semaphore_mem>>, %arg17: memref<!tpu.dma_semaphore, #tpu.memory_space<semaphore_mem>>, %arg18: memref<!tpu.dma_semaphore, #tpu.memory_space<semaphore_mem>>, %arg19: memref<!tpu.dma_semaphore, #tpu.memory_space<semaphore_mem>>) attributes {dimension_semantics = [#tpu.dimension_semantics<core_parallel>, #tpu.dimension_semantics<subcore_parallel>], iteration_bounds = array<i64: 2, 16>, scalar_prefetch = 0 : i64, scratch_operands = 14 : i64, tpu.core_type = #tpu.core_type<sc_vector_subcore>, window_params = [{transform_indices = #map}, {transform_indices = #map}, {transform_indices = #map}, {transform_indices = #map}]} {
    %mul3A = arith.constant 2 : i32
    %mul3A_0 = arith.muli %arg1, %mul3A : i32
    %add3A = arith.addi %mul3A_0, %arg0 : i32
    %mul3A_1 = arith.constant 128 : i32
    %mul3A_2 = arith.muli %add3A, %mul3A_1 : i32
    %mul3A_3 = arith.constant 2 : i32
    %mul3A_4 = arith.muli %mul3A_2, %mul3A_3 : i32
    "tpu.region"() ({
      %run_scoped3A = tpu.sem_alloc : memref<!tpu.dma_semaphore, #tpu.memory_space<semaphore_mem>>
      %dma_start3A_100 = arith.constant 0 : i32
      %dma_start3A_101 = tpu.memref_slice %arg2[%mul3A_4, %dma_start3A_100] : memref<8192x100xi32, #tpu.memory_space<hbm>> -> memref<256x100xi32, #tpu.memory_space<hbm>>
      %dma_start3A_102 = arith.constant 0 : i32
      %dma_start3A_103 = tpu.memref_slice %arg2[%mul3A_4, %dma_start3A_102] : memref<8192x100xi32, #tpu.memory_space<hbm>> -> memref<256x100xi32, #tpu.memory_space<hbm>>
      tpu.enqueue_dma source(%dma_start3A_103 : memref<256x100xi32, #tpu.memory_space<hbm>>) target(%arg6 : memref<256x100xi32, #tpu.memory_space<vmem>>) target_semaphore(%run_scoped3A : memref<!tpu.dma_semaphore, #tpu.memory_space<semaphore_mem>>)
      %dma_wait3A_104 = arith.constant 0 : i32
      %dma_wait3A_105 = tpu.memref_slice %arg2[%mul3A_4, %dma_wait3A_104] : memref<8192x100xi32, #tpu.memory_space<hbm>> -> memref<256x100xi32, #tpu.memory_space<hbm>>
      %dma_wait3A_106 = arith.constant 0 : i32
      %dma_wait3A_107 = tpu.memref_slice %arg2[%mul3A_4, %dma_wait3A_106] : memref<8192x100xi32, #tpu.memory_space<hbm>> -> memref<256x100xi32, #tpu.memory_space<hbm>>
      tpu.wait_dma2 semaphore(%run_scoped3A : memref<!tpu.dma_semaphore, #tpu.memory_space<semaphore_mem>>) src(%dma_wait3A_107 : memref<256x100xi32, #tpu.memory_space<hbm>>) dst(%arg6 : memref<256x100xi32, #tpu.memory_space<vmem>>)
      tpu.yield
    }) : () -> ()
    "tpu.region"() ({
      %run_scoped3A = tpu.sem_alloc : memref<!tpu.dma_semaphore, #tpu.memory_space<semaphore_mem>>
      tpu.enqueue_dma source(%arg4 : memref<200x64xf32, #tpu.memory_space<hbm>>) target(%arg7 : memref<200x64xf32, #tpu.memory_space<vmem>>) target_semaphore(%run_scoped3A : memref<!tpu.dma_semaphore, #tpu.memory_space<semaphore_mem>>)
      tpu.wait_dma2 semaphore(%run_scoped3A : memref<!tpu.dma_semaphore, #tpu.memory_space<semaphore_mem>>) src(%arg4 : memref<200x64xf32, #tpu.memory_space<hbm>>) dst(%arg7 : memref<200x64xf32, #tpu.memory_space<vmem>>)
      tpu.yield
    }) : () -> ()
    %dma_start3A = arith.constant 0 : i32
    %dma_start3A_5 = arith.constant 0 : i32
    %dma_start3A_6 = arith.constant 0 : i32
    %dma_start3A_7 = tpu.memref_slice %arg8[%dma_start3A_5, %dma_start3A_6] : memref<200x64xf32, #tpu.memory_space<vmem>> -> memref<100x64xf32, #tpu.memory_space<vmem>>
    %dma_start3A_8 = arith.constant 0 : i32
    %dma_start3A_9 = tpu.memref_slice %arg6[%dma_start3A, %dma_start3A_8] : memref<256x100xi32, #tpu.memory_space<vmem>> -> memref<1x100xi32, #tpu.memory_space<vmem>>
    %dma_start3A_10 = tpu.memref_squeeze %dma_start3A_9 : memref<1x100xi32, #tpu.memory_space<vmem>> -> memref<100xi32, #tpu.memory_space<vmem>>
    %dma_start3A_11 = arith.constant 0 : i32
    %dma_start3A_12 = arith.constant 0 : i32
    %dma_start3A_13 = tpu.memref_slice %arg3[%dma_start3A_11, %dma_start3A_12] : memref<1000000x64xf32, #tpu.memory_space<hbm>> -> memref<1000000x64xf32, #tpu.memory_space<hbm>>
    tpu.enqueue_indirect_dma source(%dma_start3A_13 : memref<1000000x64xf32, #tpu.memory_space<hbm>>) target(%dma_start3A_7 : memref<100x64xf32, #tpu.memory_space<vmem>>) offsets(%dma_start3A_10 : memref<100xi32, #tpu.memory_space<vmem>>) semaphore(%arg14 : memref<!tpu.dma_semaphore, #tpu.memory_space<semaphore_mem>>)
    %dma_start3A_14 = arith.constant 1 : i32
    %dma_start3A_15 = arith.constant 100 : i32
    %dma_start3A_16 = arith.constant 0 : i32
    %dma_start3A_17 = tpu.memref_slice %arg8[%dma_start3A_15, %dma_start3A_16] : memref<200x64xf32, #tpu.memory_space<vmem>> -> memref<100x64xf32, #tpu.memory_space<vmem>>
    %dma_start3A_18 = arith.constant 0 : i32
    %dma_start3A_19 = tpu.memref_slice %arg6[%dma_start3A_14, %dma_start3A_18] : memref<256x100xi32, #tpu.memory_space<vmem>> -> memref<1x100xi32, #tpu.memory_space<vmem>>
    %dma_start3A_20 = tpu.memref_squeeze %dma_start3A_19 : memref<1x100xi32, #tpu.memory_space<vmem>> -> memref<100xi32, #tpu.memory_space<vmem>>
    %dma_start3A_21 = arith.constant 0 : i32
    %dma_start3A_22 = arith.constant 0 : i32
    %dma_start3A_23 = tpu.memref_slice %arg3[%dma_start3A_21, %dma_start3A_22] : memref<1000000x64xf32, #tpu.memory_space<hbm>> -> memref<1000000x64xf32, #tpu.memory_space<hbm>>
    tpu.enqueue_indirect_dma source(%dma_start3A_23 : memref<1000000x64xf32, #tpu.memory_space<hbm>>) target(%dma_start3A_17 : memref<100x64xf32, #tpu.memory_space<vmem>>) offsets(%dma_start3A_20 : memref<100xi32, #tpu.memory_space<vmem>>) semaphore(%arg14 : memref<!tpu.dma_semaphore, #tpu.memory_space<semaphore_mem>>)
    %dma_start3A_24 = arith.constant 2 : i32
    %dma_start3A_25 = arith.constant 0 : i32
    %dma_start3A_26 = arith.constant 0 : i32
    %dma_start3A_27 = tpu.memref_slice %arg9[%dma_start3A_25, %dma_start3A_26] : memref<200x64xf32, #tpu.memory_space<vmem>> -> memref<100x64xf32, #tpu.memory_space<vmem>>
    %dma_start3A_28 = arith.constant 0 : i32
    %dma_start3A_29 = tpu.memref_slice %arg6[%dma_start3A_24, %dma_start3A_28] : memref<256x100xi32, #tpu.memory_space<vmem>> -> memref<1x100xi32, #tpu.memory_space<vmem>>
    %dma_start3A_30 = tpu.memref_squeeze %dma_start3A_29 : memref<1x100xi32, #tpu.memory_space<vmem>> -> memref<100xi32, #tpu.memory_space<vmem>>
    %dma_start3A_31 = arith.constant 0 : i32
    %dma_start3A_32 = arith.constant 0 : i32
    %dma_start3A_33 = tpu.memref_slice %arg3[%dma_start3A_31, %dma_start3A_32] : memref<1000000x64xf32, #tpu.memory_space<hbm>> -> memref<1000000x64xf32, #tpu.memory_space<hbm>>
    tpu.enqueue_indirect_dma source(%dma_start3A_33 : memref<1000000x64xf32, #tpu.memory_space<hbm>>) target(%dma_start3A_27 : memref<100x64xf32, #tpu.memory_space<vmem>>) offsets(%dma_start3A_30 : memref<100xi32, #tpu.memory_space<vmem>>) semaphore(%arg15 : memref<!tpu.dma_semaphore, #tpu.memory_space<semaphore_mem>>)
    %dma_start3A_34 = arith.constant 3 : i32
    %dma_start3A_35 = arith.constant 100 : i32
    %dma_start3A_36 = arith.constant 0 : i32
    %dma_start3A_37 = tpu.memref_slice %arg9[%dma_start3A_35, %dma_start3A_36] : memref<200x64xf32, #tpu.memory_space<vmem>> -> memref<100x64xf32, #tpu.memory_space<vmem>>
    %dma_start3A_38 = arith.constant 0 : i32
    %dma_start3A_39 = tpu.memref_slice %arg6[%dma_start3A_34, %dma_start3A_38] : memref<256x100xi32, #tpu.memory_space<vmem>> -> memref<1x100xi32, #tpu.memory_space<vmem>>
    %dma_start3A_40 = tpu.memref_squeeze %dma_start3A_39 : memref<1x100xi32, #tpu.memory_space<vmem>> -> memref<100xi32, #tpu.memory_space<vmem>>
    %dma_start3A_41 = arith.constant 0 : i32
    %dma_start3A_42 = arith.constant 0 : i32
    %dma_start3A_43 = tpu.memref_slice %arg3[%dma_start3A_41, %dma_start3A_42] : memref<1000000x64xf32, #tpu.memory_space<hbm>> -> memref<1000000x64xf32, #tpu.memory_space<hbm>>
    tpu.enqueue_indirect_dma source(%dma_start3A_43 : memref<1000000x64xf32, #tpu.memory_space<hbm>>) target(%dma_start3A_37 : memref<100x64xf32, #tpu.memory_space<vmem>>) offsets(%dma_start3A_40 : memref<100xi32, #tpu.memory_space<vmem>>) semaphore(%arg15 : memref<!tpu.dma_semaphore, #tpu.memory_space<semaphore_mem>>)
    %dma_start3A_44 = arith.constant 4 : i32
    %dma_start3A_45 = arith.constant 0 : i32
    %dma_start3A_46 = arith.constant 0 : i32
    %dma_start3A_47 = tpu.memref_slice %arg10[%dma_start3A_45, %dma_start3A_46] : memref<200x64xf32, #tpu.memory_space<vmem>> -> memref<100x64xf32, #tpu.memory_space<vmem>>
    %dma_start3A_48 = arith.constant 0 : i32
    %dma_start3A_49 = tpu.memref_slice %arg6[%dma_start3A_44, %dma_start3A_48] : memref<256x100xi32, #tpu.memory_space<vmem>> -> memref<1x100xi32, #tpu.memory_space<vmem>>
    %dma_start3A_50 = tpu.memref_squeeze %dma_start3A_49 : memref<1x100xi32, #tpu.memory_space<vmem>> -> memref<100xi32, #tpu.memory_space<vmem>>
    %dma_start3A_51 = arith.constant 0 : i32
    %dma_start3A_52 = arith.constant 0 : i32
    %dma_start3A_53 = tpu.memref_slice %arg3[%dma_start3A_51, %dma_start3A_52] : memref<1000000x64xf32, #tpu.memory_space<hbm>> -> memref<1000000x64xf32, #tpu.memory_space<hbm>>
    tpu.enqueue_indirect_dma source(%dma_start3A_53 : memref<1000000x64xf32, #tpu.memory_space<hbm>>) target(%dma_start3A_47 : memref<100x64xf32, #tpu.memory_space<vmem>>) offsets(%dma_start3A_50 : memref<100xi32, #tpu.memory_space<vmem>>) semaphore(%arg16 : memref<!tpu.dma_semaphore, #tpu.memory_space<semaphore_mem>>)
    %dma_start3A_54 = arith.constant 5 : i32
    %dma_start3A_55 = arith.constant 100 : i32
    %dma_start3A_56 = arith.constant 0 : i32
    %dma_start3A_57 = tpu.memref_slice %arg10[%dma_start3A_55, %dma_start3A_56] : memref<200x64xf32, #tpu.memory_space<vmem>> -> memref<100x64xf32, #tpu.memory_space<vmem>>
    %dma_start3A_58 = arith.constant 0 : i32
    %dma_start3A_59 = tpu.memref_slice %arg6[%dma_start3A_54, %dma_start3A_58] : memref<256x100xi32, #tpu.memory_space<vmem>> -> memref<1x100xi32, #tpu.memory_space<vmem>>
    %dma_start3A_60 = tpu.memref_squeeze %dma_start3A_59 : memref<1x100xi32, #tpu.memory_space<vmem>> -> memref<100xi32, #tpu.memory_space<vmem>>
    %dma_start3A_61 = arith.constant 0 : i32
    %dma_start3A_62 = arith.constant 0 : i32
    %dma_start3A_63 = tpu.memref_slice %arg3[%dma_start3A_61, %dma_start3A_62] : memref<1000000x64xf32, #tpu.memory_space<hbm>> -> memref<1000000x64xf32, #tpu.memory_space<hbm>>
    tpu.enqueue_indirect_dma source(%dma_start3A_63 : memref<1000000x64xf32, #tpu.memory_space<hbm>>) target(%dma_start3A_57 : memref<100x64xf32, #tpu.memory_space<vmem>>) offsets(%dma_start3A_60 : memref<100xi32, #tpu.memory_space<vmem>>) semaphore(%arg16 : memref<!tpu.dma_semaphore, #tpu.memory_space<semaphore_mem>>)
    %dma_start3A_64 = arith.constant 6 : i32
    %dma_start3A_65 = arith.constant 0 : i32
    %dma_start3A_66 = arith.constant 0 : i32
    %dma_start3A_67 = tpu.memref_slice %arg11[%dma_start3A_65, %dma_start3A_66] : memref<200x64xf32, #tpu.memory_space<vmem>> -> memref<100x64xf32, #tpu.memory_space<vmem>>
    %dma_start3A_68 = arith.constant 0 : i32
    %dma_start3A_69 = tpu.memref_slice %arg6[%dma_start3A_64, %dma_start3A_68] : memref<256x100xi32, #tpu.memory_space<vmem>> -> memref<1x100xi32, #tpu.memory_space<vmem>>
    %dma_start3A_70 = tpu.memref_squeeze %dma_start3A_69 : memref<1x100xi32, #tpu.memory_space<vmem>> -> memref<100xi32, #tpu.memory_space<vmem>>
    %dma_start3A_71 = arith.constant 0 : i32
    %dma_start3A_72 = arith.constant 0 : i32
    %dma_start3A_73 = tpu.memref_slice %arg3[%dma_start3A_71, %dma_start3A_72] : memref<1000000x64xf32, #tpu.memory_space<hbm>> -> memref<1000000x64xf32, #tpu.memory_space<hbm>>
    tpu.enqueue_indirect_dma source(%dma_start3A_73 : memref<1000000x64xf32, #tpu.memory_space<hbm>>) target(%dma_start3A_67 : memref<100x64xf32, #tpu.memory_space<vmem>>) offsets(%dma_start3A_70 : memref<100xi32, #tpu.memory_space<vmem>>) semaphore(%arg17 : memref<!tpu.dma_semaphore, #tpu.memory_space<semaphore_mem>>)
    %dma_start3A_74 = arith.constant 7 : i32
    %dma_start3A_75 = arith.constant 100 : i32
    %dma_start3A_76 = arith.constant 0 : i32
    %dma_start3A_77 = tpu.memref_slice %arg11[%dma_start3A_75, %dma_start3A_76] : memref<200x64xf32, #tpu.memory_space<vmem>> -> memref<100x64xf32, #tpu.memory_space<vmem>>
    %dma_start3A_78 = arith.constant 0 : i32
    %dma_start3A_79 = tpu.memref_slice %arg6[%dma_start3A_74, %dma_start3A_78] : memref<256x100xi32, #tpu.memory_space<vmem>> -> memref<1x100xi32, #tpu.memory_space<vmem>>
    %dma_start3A_80 = tpu.memref_squeeze %dma_start3A_79 : memref<1x100xi32, #tpu.memory_space<vmem>> -> memref<100xi32, #tpu.memory_space<vmem>>
    %dma_start3A_81 = arith.constant 0 : i32
    %dma_start3A_82 = arith.constant 0 : i32
    %dma_start3A_83 = tpu.memref_slice %arg3[%dma_start3A_81, %dma_start3A_82] : memref<1000000x64xf32, #tpu.memory_space<hbm>> -> memref<1000000x64xf32, #tpu.memory_space<hbm>>
    tpu.enqueue_indirect_dma source(%dma_start3A_83 : memref<1000000x64xf32, #tpu.memory_space<hbm>>) target(%dma_start3A_77 : memref<100x64xf32, #tpu.memory_space<vmem>>) offsets(%dma_start3A_80 : memref<100xi32, #tpu.memory_space<vmem>>) semaphore(%arg17 : memref<!tpu.dma_semaphore, #tpu.memory_space<semaphore_mem>>)
    %scan3A = arith.constant 0 : i32
    %scan3A_84 = arith.constant 0 : i32
    %scan3A_85 = arith.constant 32 : i32
    %scan3A_86 = arith.addi %scan3A_84, %scan3A_85 : i32
    %scan3A_87 = arith.constant 1 : i32
    scf.for %scan3A_100 = %scan3A_84 to %scan3A_86 step %scan3A_87  : i32 {
      %mul3A_101 = arith.constant 4 : i32
      %mul3A_102 = arith.muli %mul3A_101, %scan3A_100 : i32
      %add3A_103 = arith.constant 0 : i32
      %add3A_104 = arith.addi %mul3A_102, %add3A_103 : i32
      %mul3A_105 = arith.constant 2 : i32
      %mul3A_106 = arith.muli %mul3A_105, %add3A_104 : i32
      %dma_wait3A_107 = arith.constant 0 : i32
      %dma_wait3A_108 = arith.constant 0 : i32
      %dma_wait3A_109 = tpu.memref_slice %arg8[%dma_wait3A_107, %dma_wait3A_108] : memref<200x64xf32, #tpu.memory_space<vmem>> -> memref<100x64xf32, #tpu.memory_space<vmem>>
      %dma_wait3A_110 = arith.constant 0 : i32
      %dma_wait3A_111 = tpu.memref_slice %arg6[%mul3A_106, %dma_wait3A_110] : memref<256x100xi32, #tpu.memory_space<vmem>> -> memref<1x100xi32, #tpu.memory_space<vmem>>
      %dma_wait3A_112 = tpu.memref_squeeze %dma_wait3A_111 : memref<1x100xi32, #tpu.memory_space<vmem>> -> memref<100xi32, #tpu.memory_space<vmem>>
      %dma_wait3A_113 = arith.constant 0 : i32
      %dma_wait3A_114 = arith.constant 0 : i32
      %dma_wait3A_115 = tpu.memref_slice %arg3[%dma_wait3A_113, %dma_wait3A_114] : memref<1000000x64xf32, #tpu.memory_space<hbm>> -> memref<1000000x64xf32, #tpu.memory_space<hbm>>
      tpu.wait_indirect_dma semaphore(%arg14 : memref<!tpu.dma_semaphore, #tpu.memory_space<semaphore_mem>>) src(%dma_wait3A_115 : memref<1000000x64xf32, #tpu.memory_space<hbm>>) dst(%dma_wait3A_109 : memref<100x64xf32, #tpu.memory_space<vmem>>)
      %mul3A_116 = arith.constant 2 : i32
      %mul3A_117 = arith.muli %mul3A_116, %add3A_104 : i32
      %add3A_118 = arith.constant 1 : i32
      %add3A_119 = arith.addi %mul3A_117, %add3A_118 : i32
      %dma_wait3A_120 = arith.constant 100 : i32
      %dma_wait3A_121 = arith.constant 0 : i32
      %dma_wait3A_122 = tpu.memref_slice %arg8[%dma_wait3A_120, %dma_wait3A_121] : memref<200x64xf32, #tpu.memory_space<vmem>> -> memref<100x64xf32, #tpu.memory_space<vmem>>
      %dma_wait3A_123 = arith.constant 0 : i32
      %dma_wait3A_124 = tpu.memref_slice %arg6[%add3A_119, %dma_wait3A_123] : memref<256x100xi32, #tpu.memory_space<vmem>> -> memref<1x100xi32, #tpu.memory_space<vmem>>
      %dma_wait3A_125 = tpu.memref_squeeze %dma_wait3A_124 : memref<1x100xi32, #tpu.memory_space<vmem>> -> memref<100xi32, #tpu.memory_space<vmem>>
      %dma_wait3A_126 = arith.constant 0 : i32
      %dma_wait3A_127 = arith.constant 0 : i32
      %dma_wait3A_128 = tpu.memref_slice %arg3[%dma_wait3A_126, %dma_wait3A_127] : memref<1000000x64xf32, #tpu.memory_space<hbm>> -> memref<1000000x64xf32, #tpu.memory_space<hbm>>
      tpu.wait_indirect_dma semaphore(%arg14 : memref<!tpu.dma_semaphore, #tpu.memory_space<semaphore_mem>>) src(%dma_wait3A_128 : memref<1000000x64xf32, #tpu.memory_space<hbm>>) dst(%dma_wait3A_122 : memref<100x64xf32, #tpu.memory_space<vmem>>)
      %ge3A = arith.constant 2 : i32
      %ge3A_129 = arith.cmpi sge, %add3A_104, %ge3A : i32
      %convert_element_type3A = arith.extui %ge3A_129 : i1 to i32
      %cond3A = arith.constant 0 : i32
      %cond3A_130 = arith.cmpi ne, %convert_element_type3A, %cond3A : i32
      scf.if %cond3A_130 {
        %dma_wait3A_309 = arith.constant 0 : i32
        %dma_wait3A_310 = arith.constant 0 : i32
        %dma_wait3A_311 = tpu.memref_slice %arg5[%dma_wait3A_309, %dma_wait3A_310] : memref<819200x64xf32, #tpu.memory_space<hbm>> -> memref<200x64xf32, #tpu.memory_space<hbm>>
        %dma_wait3A_312 = arith.constant 0 : i32
        %dma_wait3A_313 = arith.constant 0 : i32
        %dma_wait3A_314 = tpu.memref_slice %arg5[%dma_wait3A_312, %dma_wait3A_313] : memref<819200x64xf32, #tpu.memory_space<hbm>> -> memref<200x64xf32, #tpu.memory_space<hbm>>
        tpu.wait_dma2 semaphore(%arg18 : memref<!tpu.dma_semaphore, #tpu.memory_space<semaphore_mem>>) src(%arg12 : memref<200x64xf32, #tpu.memory_space<vmem>>) dst(%dma_wait3A_314 : memref<200x64xf32, #tpu.memory_space<hbm>>)
      } else {
      }
      %scan3A_131 = arith.constant 0 : i32
      %scan3A_132 = arith.constant 0 : i32
      %scan3A_133 = arith.constant 200 : i32
      %scan3A_134 = arith.addi %scan3A_132, %scan3A_133 : i32
      %scan3A_135 = arith.constant 4 : i32
      scf.for %scan3A_309 = %scan3A_132 to %scan3A_134 step %scan3A_135  : i32 {
        %get3A = arith.index_cast %scan3A_309 : i32 to index
        %get3A_310 = arith.constant 0 : index
        %get3A_311 = tpu.vector_load %arg8[%get3A, %get3A_310] {strides = array<i32>} : memref<200x64xf32, #tpu.memory_space<vmem>>, vector<1x16xf32>,
        %get3A_312 = vector.shape_cast %get3A_311 : vector<1x16xf32> to vector<16xf32>
        %get3A_313 = arith.index_cast %scan3A_309 : i32 to index
        %get3A_314 = arith.constant 0 : index
        %get3A_315 = tpu.vector_load %arg7[%get3A_313, %get3A_314] {strides = array<i32>} : memref<200x64xf32, #tpu.memory_space<vmem>>, vector<1x16xf32>,
        %get3A_316 = vector.shape_cast %get3A_315 : vector<1x16xf32> to vector<16xf32>
        %add3A_317 = arith.addf %get3A_312, %get3A_316 : vector<16xf32>
        %swap3A = arith.index_cast %scan3A_309 : i32 to index
        %swap3A_318 = arith.constant 0 : index
        %swap3A_319 = tpu.vector_load %arg12[%swap3A, %swap3A_318] {strides = array<i32>} : memref<200x64xf32, #tpu.memory_space<vmem>>, vector<1x16xf32>,
        %swap3A_320 = vector.shape_cast %swap3A_319 : vector<1x16xf32> to vector<16xf32>
        %swap3A_321 = vector.shape_cast %add3A_317 : vector<16xf32> to vector<1x16xf32>
        tpu.vector_store %arg12[%swap3A, %swap3A_318], %swap3A_321 {strides = array<i32>} : memref<200x64xf32, #tpu.memory_space<vmem>>, vector<1x16xf32>,
        %get3A_322 = arith.index_cast %scan3A_309 : i32 to index
        %get3A_323 = arith.constant 16 : index
        %get3A_324 = tpu.vector_load %arg8[%get3A_322, %get3A_323] {strides = array<i32>} : memref<200x64xf32, #tpu.memory_space<vmem>>, vector<1x16xf32>,
        %get3A_325 = vector.shape_cast %get3A_324 : vector<1x16xf32> to vector<16xf32>
        %get3A_326 = arith.index_cast %scan3A_309 : i32 to index
        %get3A_327 = arith.constant 16 : index
        %get3A_328 = tpu.vector_load %arg7[%get3A_326, %get3A_327] {strides = array<i32>} : memref<200x64xf32, #tpu.memory_space<vmem>>, vector<1x16xf32>,
        %get3A_329 = vector.shape_cast %get3A_328 : vector<1x16xf32> to vector<16xf32>
        %add3A_330 = arith.addf %get3A_325, %get3A_329 : vector<16xf32>
        %swap3A_331 = arith.index_cast %scan3A_309 : i32 to index
        %swap3A_332 = arith.constant 16 : index
        %swap3A_333 = tpu.vector_load %arg12[%swap3A_331, %swap3A_332] {strides = array<i32>} : memref<200x64xf32, #tpu.memory_space<vmem>>, vector<1x16xf32>,
        %swap3A_334 = vector.shape_cast %swap3A_333 : vector<1x16xf32> to vector<16xf32>
        %swap3A_335 = vector.shape_cast %add3A_330 : vector<16xf32> to vector<1x16xf32>
        tpu.vector_store %arg12[%swap3A_331, %swap3A_332], %swap3A_335 {strides = array<i32>} : memref<200x64xf32, #tpu.memory_space<vmem>>, vector<1x16xf32>,
        %get3A_336 = arith.index_cast %scan3A_309 : i32 to index
        %get3A_337 = arith.constant 32 : index
        %get3A_338 = tpu.vector_load %arg8[%get3A_336, %get3A_337] {strides = array<i32>} : memref<200x64xf32, #tpu.memory_space<vmem>>, vector<1x16xf32>,
        %get3A_339 = vector.shape_cast %get3A_338 : vector<1x16xf32> to vector<16xf32>
        %get3A_340 = arith.index_cast %scan3A_309 : i32 to index
        %get3A_341 = arith.constant 32 : index
        %get3A_342 = tpu.vector_load %arg7[%get3A_340, %get3A_341] {strides = array<i32>} : memref<200x64xf32, #tpu.memory_space<vmem>>, vector<1x16xf32>,
        %get3A_343 = vector.shape_cast %get3A_342 : vector<1x16xf32> to vector<16xf32>
        %add3A_344 = arith.addf %get3A_339, %get3A_343 : vector<16xf32>
        %swap3A_345 = arith.index_cast %scan3A_309 : i32 to index
        %swap3A_346 = arith.constant 32 : index
        %swap3A_347 = tpu.vector_load %arg12[%swap3A_345, %swap3A_346] {strides = array<i32>} : memref<200x64xf32, #tpu.memory_space<vmem>>, vector<1x16xf32>,
        %swap3A_348 = vector.shape_cast %swap3A_347 : vector<1x16xf32> to vector<16xf32>
        %swap3A_349 = vector.shape_cast %add3A_344 : vector<16xf32> to vector<1x16xf32>
        tpu.vector_store %arg12[%swap3A_345, %swap3A_346], %swap3A_349 {strides = array<i32>} : memref<200x64xf32, #tpu.memory_space<vmem>>, vector<1x16xf32>,
        %get3A_350 = arith.index_cast %scan3A_309 : i32 to index
        %get3A_351 = arith.constant 48 : index
        %get3A_352 = tpu.vector_load %arg8[%get3A_350, %get3A_351] {strides = array<i32>} : memref<200x64xf32, #tpu.memory_space<vmem>>, vector<1x16xf32>,
        %get3A_353 = vector.shape_cast %get3A_352 : vector<1x16xf32> to vector<16xf32>
        %get3A_354 = arith.index_cast %scan3A_309 : i32 to index
        %get3A_355 = arith.constant 48 : index
        %get3A_356 = tpu.vector_load %arg7[%get3A_354, %get3A_355] {strides = array<i32>} : memref<200x64xf32, #tpu.memory_space<vmem>>, vector<1x16xf32>,
        %get3A_357 = vector.shape_cast %get3A_356 : vector<1x16xf32> to vector<16xf32>
        %add3A_358 = arith.addf %get3A_353, %get3A_357 : vector<16xf32>
        %swap3A_359 = arith.index_cast %scan3A_309 : i32 to index
        %swap3A_360 = arith.constant 48 : index
        %swap3A_361 = tpu.vector_load %arg12[%swap3A_359, %swap3A_360] {strides = array<i32>} : memref<200x64xf32, #tpu.memory_space<vmem>>, vector<1x16xf32>,
        %swap3A_362 = vector.shape_cast %swap3A_361 : vector<1x16xf32> to vector<16xf32>
        %swap3A_363 = vector.shape_cast %add3A_358 : vector<16xf32> to vector<1x16xf32>
        tpu.vector_store %arg12[%swap3A_359, %swap3A_360], %swap3A_363 {strides = array<i32>} : memref<200x64xf32, #tpu.memory_space<vmem>>, vector<1x16xf32>,
        %scan3A_364 = arith.constant 1 : i32
        %scan3A_365 = arith.addi %scan3A_309, %scan3A_364 : i32
        %get3A_366 = arith.index_cast %scan3A_365 : i32 to index
        %get3A_367 = arith.constant 0 : index
        %get3A_368 = tpu.vector_load %arg8[%get3A_366, %get3A_367] {strides = array<i32>} : memref<200x64xf32, #tpu.memory_space<vmem>>, vector<1x16xf32>,
        %get3A_369 = vector.shape_cast %get3A_368 : vector<1x16xf32> to vector<16xf32>
        %get3A_370 = arith.index_cast %scan3A_365 : i32 to index
        %get3A_371 = arith.constant 0 : index
        %get3A_372 = tpu.vector_load %arg7[%get3A_370, %get3A_371] {strides = array<i32>} : memref<200x64xf32, #tpu.memory_space<vmem>>, vector<1x16xf32>,
        %get3A_373 = vector.shape_cast %get3A_372 : vector<1x16xf32> to vector<16xf32>
        %add3A_374 = arith.addf %get3A_369, %get3A_373 : vector<16xf32>
        %swap3A_375 = arith.index_cast %scan3A_365 : i32 to index
        %swap3A_376 = arith.constant 0 : index
        %swap3A_377 = tpu.vector_load %arg12[%swap3A_375, %swap3A_376] {strides = array<i32>} : memref<200x64xf32, #tpu.memory_space<vmem>>, vector<1x16xf32>,
        %swap3A_378 = vector.shape_cast %swap3A_377 : vector<1x16xf32> to vector<16xf32>
        %swap3A_379 = vector.shape_cast %add3A_374 : vector<16xf32> to vector<1x16xf32>
        tpu.vector_store %arg12[%swap3A_375, %swap3A_376], %swap3A_379 {strides = array<i32>} : memref<200x64xf32, #tpu.memory_space<vmem>>, vector<1x16xf32>,
        %get3A_380 = arith.index_cast %scan3A_365 : i32 to index
        %get3A_381 = arith.constant 16 : index
        %get3A_382 = tpu.vector_load %arg8[%get3A_380, %get3A_381] {strides = array<i32>} : memref<200x64xf32, #tpu.memory_space<vmem>>, vector<1x16xf32>,
        %get3A_383 = vector.shape_cast %get3A_382 : vector<1x16xf32> to vector<16xf32>
        %get3A_384 = arith.index_cast %scan3A_365 : i32 to index
        %get3A_385 = arith.constant 16 : index
        %get3A_386 = tpu.vector_load %arg7[%get3A_384, %get3A_385] {strides = array<i32>} : memref<200x64xf32, #tpu.memory_space<vmem>>, vector<1x16xf32>,
        %get3A_387 = vector.shape_cast %get3A_386 : vector<1x16xf32> to vector<16xf32>
        %add3A_388 = arith.addf %get3A_383, %get3A_387 : vector<16xf32>
        %swap3A_389 = arith.index_cast %scan3A_365 : i32 to index
        %swap3A_390 = arith.constant 16 : index
        %swap3A_391 = tpu.vector_load %arg12[%swap3A_389, %swap3A_390] {strides = array<i32>} : memref<200x64xf32, #tpu.memory_space<vmem>>, vector<1x16xf32>,
        %swap3A_392 = vector.shape_cast %swap3A_391 : vector<1x16xf32> to vector<16xf32>
        %swap3A_393 = vector.shape_cast %add3A_388 : vector<16xf32> to vector<1x16xf32>
        tpu.vector_store %arg12[%swap3A_389, %swap3A_390], %swap3A_393 {strides = array<i32>} : memref<200x64xf32, #tpu.memory_space<vmem>>, vector<1x16xf32>,
        %get3A_394 = arith.index_cast %scan3A_365 : i32 to index
        %get3A_395 = arith.constant 32 : index
        %get3A_396 = tpu.vector_load %arg8[%get3A_394, %get3A_395] {strides = array<i32>} : memref<200x64xf32, #tpu.memory_space<vmem>>, vector<1x16xf32>,
        %get3A_397 = vector.shape_cast %get3A_396 : vector<1x16xf32> to vector<16xf32>
        %get3A_398 = arith.index_cast %scan3A_365 : i32 to index
        %get3A_399 = arith.constant 32 : index
        %get3A_400 = tpu.vector_load %arg7[%get3A_398, %get3A_399] {strides = array<i32>} : memref<200x64xf32, #tpu.memory_space<vmem>>, vector<1x16xf32>,
        %get3A_401 = vector.shape_cast %get3A_400 : vector<1x16xf32> to vector<16xf32>
        %add3A_402 = arith.addf %get3A_397, %get3A_401 : vector<16xf32>
        %swap3A_403 = arith.index_cast %scan3A_365 : i32 to index
        %swap3A_404 = arith.constant 32 : index
        %swap3A_405 = tpu.vector_load %arg12[%swap3A_403, %swap3A_404] {strides = array<i32>} : memref<200x64xf32, #tpu.memory_space<vmem>>, vector<1x16xf32>,
        %swap3A_406 = vector.shape_cast %swap3A_405 : vector<1x16xf32> to vector<16xf32>
        %swap3A_407 = vector.shape_cast %add3A_402 : vector<16xf32> to vector<1x16xf32>
        tpu.vector_store %arg12[%swap3A_403, %swap3A_404], %swap3A_407 {strides = array<i32>} : memref<200x64xf32, #tpu.memory_space<vmem>>, vector<1x16xf32>,
        %get3A_408 = arith.index_cast %scan3A_365 : i32 to index
        %get3A_409 = arith.constant 48 : index
        %get3A_410 = tpu.vector_load %arg8[%get3A_408, %get3A_409] {strides = array<i32>} : memref<200x64xf32, #tpu.memory_space<vmem>>, vector<1x16xf32>,
        %get3A_411 = vector.shape_cast %get3A_410 : vector<1x16xf32> to vector<16xf32>
        %get3A_412 = arith.index_cast %scan3A_365 : i32 to index
        %get3A_413 = arith.constant 48 : index
        %get3A_414 = tpu.vector_load %arg7[%get3A_412, %get3A_413] {strides = array<i32>} : memref<200x64xf32, #tpu.memory_space<vmem>>, vector<1x16xf32>,
        %get3A_415 = vector.shape_cast %get3A_414 : vector<1x16xf32> to vector<16xf32>
        %add3A_416 = arith.addf %get3A_411, %get3A_415 : vector<16xf32>
        %swap3A_417 = arith.index_cast %scan3A_365 : i32 to index
        %swap3A_418 = arith.constant 48 : index
        %swap3A_419 = tpu.vector_load %arg12[%swap3A_417, %swap3A_418] {strides = array<i32>} : memref<200x64xf32, #tpu.memory_space<vmem>>, vector<1x16xf32>,
        %swap3A_420 = vector.shape_cast %swap3A_419 : vector<1x16xf32> to vector<16xf32>
        %swap3A_421 = vector.shape_cast %add3A_416 : vector<16xf32> to vector<1x16xf32>
        tpu.vector_store %arg12[%swap3A_417, %swap3A_418], %swap3A_421 {strides = array<i32>} : memref<200x64xf32, #tpu.memory_space<vmem>>, vector<1x16xf32>,
        %scan3A_422 = arith.constant 2 : i32
        %scan3A_423 = arith.addi %scan3A_309, %scan3A_422 : i32
        %get3A_424 = arith.index_cast %scan3A_423 : i32 to index
        %get3A_425 = arith.constant 0 : index
        %get3A_426 = tpu.vector_load %arg8[%get3A_424, %get3A_425] {strides = array<i32>} : memref<200x64xf32, #tpu.memory_space<vmem>>, vector<1x16xf32>,
        %get3A_427 = vector.shape_cast %get3A_426 : vector<1x16xf32> to vector<16xf32>
        %get3A_428 = arith.index_cast %scan3A_423 : i32 to index
        %get3A_429 = arith.constant 0 : index
        %get3A_430 = tpu.vector_load %arg7[%get3A_428, %get3A_429] {strides = array<i32>} : memref<200x64xf32, #tpu.memory_space<vmem>>, vector<1x16xf32>,
        %get3A_431 = vector.shape_cast %get3A_430 : vector<1x16xf32> to vector<16xf32>
        %add3A_432 = arith.addf %get3A_427, %get3A_431 : vector<16xf32>
        %swap3A_433 = arith.index_cast %scan3A_423 : i32 to index
        %swap3A_434 = arith.constant 0 : index
        %swap3A_435 = tpu.vector_load %arg12[%swap3A_433, %swap3A_434] {strides = array<i32>} : memref<200x64xf32, #tpu.memory_space<vmem>>, vector<1x16xf32>,
        %swap3A_436 = vector.shape_cast %swap3A_435 : vector<1x16xf32> to vector<16xf32>
        %swap3A_437 = vector.shape_cast %add3A_432 : vector<16xf32> to vector<1x16xf32>
        tpu.vector_store %arg12[%swap3A_433, %swap3A_434], %swap3A_437 {strides = array<i32>} : memref<200x64xf32, #tpu.memory_space<vmem>>, vector<1x16xf32>,
        %get3A_438 = arith.index_cast %scan3A_423 : i32 to index
        %get3A_439 = arith.constant 16 : index
        %get3A_440 = tpu.vector_load %arg8[%get3A_438, %get3A_439] {strides = array<i32>} : memref<200x64xf32, #tpu.memory_space<vmem>>, vector<1x16xf32>,
        %get3A_441 = vector.shape_cast %get3A_440 : vector<1x16xf32> to vector<16xf32>
        %get3A_442 = arith.index_cast %scan3A_423 : i32 to index
        %get3A_443 = arith.constant 16 : index
        %get3A_444 = tpu.vector_load %arg7[%get3A_442, %get3A_443] {strides = array<i32>} : memref<200x64xf32, #tpu.memory_space<vmem>>, vector<1x16xf32>,
        %get3A_445 = vector.shape_cast %get3A_444 : vector<1x16xf32> to vector<16xf32>
        %add3A_446 = arith.addf %get3A_441, %get3A_445 : vector<16xf32>
        %swap3A_447 = arith.index_cast %scan3A_423 : i32 to index
        %swap3A_448 = arith.constant 16 : index
        %swap3A_449 = tpu.vector_load %arg12[%swap3A_447, %swap3A_448] {strides = array<i32>} : memref<200x64xf32, #tpu.memory_space<vmem>>, vector<1x16xf32>,
        %swap3A_450 = vector.shape_cast %swap3A_449 : vector<1x16xf32> to vector<16xf32>
        %swap3A_451 = vector.shape_cast %add3A_446 : vector<16xf32> to vector<1x16xf32>
        tpu.vector_store %arg12[%swap3A_447, %swap3A_448], %swap3A_451 {strides = array<i32>} : memref<200x64xf32, #tpu.memory_space<vmem>>, vector<1x16xf32>,
        %get3A_452 = arith.index_cast %scan3A_423 : i32 to index
        %get3A_453 = arith.constant 32 : index
        %get3A_454 = tpu.vector_load %arg8[%get3A_452, %get3A_453] {strides = array<i32>} : memref<200x64xf32, #tpu.memory_space<vmem>>, vector<1x16xf32>,
        %get3A_455 = vector.shape_cast %get3A_454 : vector<1x16xf32> to vector<16xf32>
        %get3A_456 = arith.index_cast %scan3A_423 : i32 to index
        %get3A_457 = arith.constant 32 : index
        %get3A_458 = tpu.vector_load %arg7[%get3A_456, %get3A_457] {strides = array<i32>} : memref<200x64xf32, #tpu.memory_space<vmem>>, vector<1x16xf32>,
        %get3A_459 = vector.shape_cast %get3A_458 : vector<1x16xf32> to vector<16xf32>
        %add3A_460 = arith.addf %get3A_455, %get3A_459 : vector<16xf32>
        %swap3A_461 = arith.index_cast %scan3A_423 : i32 to index
        %swap3A_462 = arith.constant 32 : index
        %swap3A_463 = tpu.vector_load %arg12[%swap3A_461, %swap3A_462] {strides = array<i32>} : memref<200x64xf32, #tpu.memory_space<vmem>>, vector<1x16xf32>,
        %swap3A_464 = vector.shape_cast %swap3A_463 : vector<1x16xf32> to vector<16xf32>
        %swap3A_465 = vector.shape_cast %add3A_460 : vector<16xf32> to vector<1x16xf32>
        tpu.vector_store %arg12[%swap3A_461, %swap3A_462], %swap3A_465 {strides = array<i32>} : memref<200x64xf32, #tpu.memory_space<vmem>>, vector<1x16xf32>,
        %get3A_466 = arith.index_cast %scan3A_423 : i32 to index
        %get3A_467 = arith.constant 48 : index
        %get3A_468 = tpu.vector_load %arg8[%get3A_466, %get3A_467] {strides = array<i32>} : memref<200x64xf32, #tpu.memory_space<vmem>>, vector<1x16xf32>,
        %get3A_469 = vector.shape_cast %get3A_468 : vector<1x16xf32> to vector<16xf32>
        %get3A_470 = arith.index_cast %scan3A_423 : i32 to index
        %get3A_471 = arith.constant 48 : index
        %get3A_472 = tpu.vector_load %arg7[%get3A_470, %get3A_471] {strides = array<i32>} : memref<200x64xf32, #tpu.memory_space<vmem>>, vector<1x16xf32>,
        %get3A_473 = vector.shape_cast %get3A_472 : vector<1x16xf32> to vector<16xf32>
        %add3A_474 = arith.addf %get3A_469, %get3A_473 : vector<16xf32>
        %swap3A_475 = arith.index_cast %scan3A_423 : i32 to index
        %swap3A_476 = arith.constant 48 : index
        %swap3A_477 = tpu.vector_load %arg12[%swap3A_475, %swap3A_476] {strides = array<i32>} : memref<200x64xf32, #tpu.memory_space<vmem>>, vector<1x16xf32>,
        %swap3A_478 = vector.shape_cast %swap3A_477 : vector<1x16xf32> to vector<16xf32>
        %swap3A_479 = vector.shape_cast %add3A_474 : vector<16xf32> to vector<1x16xf32>
        tpu.vector_store %arg12[%swap3A_475, %swap3A_476], %swap3A_479 {strides = array<i32>} : memref<200x64xf32, #tpu.memory_space<vmem>>, vector<1x16xf32>,
        %scan3A_480 = arith.constant 3 : i32
        %scan3A_481 = arith.addi %scan3A_309, %scan3A_480 : i32
        %get3A_482 = arith.index_cast %scan3A_481 : i32 to index
        %get3A_483 = arith.constant 0 : index
        %get3A_484 = tpu.vector_load %arg8[%get3A_482, %get3A_483] {strides = array<i32>} : memref<200x64xf32, #tpu.memory_space<vmem>>, vector<1x16xf32>,
        %get3A_485 = vector.shape_cast %get3A_484 : vector<1x16xf32> to vector<16xf32>
        %get3A_486 = arith.index_cast %scan3A_481 : i32 to index
        %get3A_487 = arith.constant 0 : index
        %get3A_488 = tpu.vector_load %arg7[%get3A_486, %get3A_487] {strides = array<i32>} : memref<200x64xf32, #tpu.memory_space<vmem>>, vector<1x16xf32>,
        %get3A_489 = vector.shape_cast %get3A_488 : vector<1x16xf32> to vector<16xf32>
        %add3A_490 = arith.addf %get3A_485, %get3A_489 : vector<16xf32>
        %swap3A_491 = arith.index_cast %scan3A_481 : i32 to index
        %swap3A_492 = arith.constant 0 : index
        %swap3A_493 = tpu.vector_load %arg12[%swap3A_491, %swap3A_492] {strides = array<i32>} : memref<200x64xf32, #tpu.memory_space<vmem>>, vector<1x16xf32>,
        %swap3A_494 = vector.shape_cast %swap3A_493 : vector<1x16xf32> to vector<16xf32>
        %swap3A_495 = vector.shape_cast %add3A_490 : vector<16xf32> to vector<1x16xf32>
        tpu.vector_store %arg12[%swap3A_491, %swap3A_492], %swap3A_495 {strides = array<i32>} : memref<200x64xf32, #tpu.memory_space<vmem>>, vector<1x16xf32>,
        %get3A_496 = arith.index_cast %scan3A_481 : i32 to index
        %get3A_497 = arith.constant 16 : index
        %get3A_498 = tpu.vector_load %arg8[%get3A_496, %get3A_497] {strides = array<i32>} : memref<200x64xf32, #tpu.memory_space<vmem>>, vector<1x16xf32>,
        %get3A_499 = vector.shape_cast %get3A_498 : vector<1x16xf32> to vector<16xf32>
        %get3A_500 = arith.index_cast %scan3A_481 : i32 to index
        %get3A_501 = arith.constant 16 : index
        %get3A_502 = tpu.vector_load %arg7[%get3A_500, %get3A_501] {strides = array<i32>} : memref<200x64xf32, #tpu.memory_space<vmem>>, vector<1x16xf32>,
        %get3A_503 = vector.shape_cast %get3A_502 : vector<1x16xf32> to vector<16xf32>
        %add3A_504 = arith.addf %get3A_499, %get3A_503 : vector<16xf32>
        %swap3A_505 = arith.index_cast %scan3A_481 : i32 to index
        %swap3A_506 = arith.constant 16 : index
        %swap3A_507 = tpu.vector_load %arg12[%swap3A_505, %swap3A_506] {strides = array<i32>} : memref<200x64xf32, #tpu.memory_space<vmem>>, vector<1x16xf32>,
        %swap3A_508 = vector.shape_cast %swap3A_507 : vector<1x16xf32> to vector<16xf32>
        %swap3A_509 = vector.shape_cast %add3A_504 : vector<16xf32> to vector<1x16xf32>
        tpu.vector_store %arg12[%swap3A_505, %swap3A_506], %swap3A_509 {strides = array<i32>} : memref<200x64xf32, #tpu.memory_space<vmem>>, vector<1x16xf32>,
        %get3A_510 = arith.index_cast %scan3A_481 : i32 to index
        %get3A_511 = arith.constant 32 : index
        %get3A_512 = tpu.vector_load %arg8[%get3A_510, %get3A_511] {strides = array<i32>} : memref<200x64xf32, #tpu.memory_space<vmem>>, vector<1x16xf32>,
        %get3A_513 = vector.shape_cast %get3A_512 : vector<1x16xf32> to vector<16xf32>
        %get3A_514 = arith.index_cast %scan3A_481 : i32 to index
        %get3A_515 = arith.constant 32 : index
        %get3A_516 = tpu.vector_load %arg7[%get3A_514, %get3A_515] {strides = array<i32>} : memref<200x64xf32, #tpu.memory_space<vmem>>, vector<1x16xf32>,
        %get3A_517 = vector.shape_cast %get3A_516 : vector<1x16xf32> to vector<16xf32>
        %add3A_518 = arith.addf %get3A_513, %get3A_517 : vector<16xf32>
        %swap3A_519 = arith.index_cast %scan3A_481 : i32 to index
        %swap3A_520 = arith.constant 32 : index
        %swap3A_521 = tpu.vector_load %arg12[%swap3A_519, %swap3A_520] {strides = array<i32>} : memref<200x64xf32, #tpu.memory_space<vmem>>, vector<1x16xf32>,
        %swap3A_522 = vector.shape_cast %swap3A_521 : vector<1x16xf32> to vector<16xf32>
        %swap3A_523 = vector.shape_cast %add3A_518 : vector<16xf32> to vector<1x16xf32>
        tpu.vector_store %arg12[%swap3A_519, %swap3A_520], %swap3A_523 {strides = array<i32>} : memref<200x64xf32, #tpu.memory_space<vmem>>, vector<1x16xf32>,
        %get3A_524 = arith.index_cast %scan3A_481 : i32 to index
        %get3A_525 = arith.constant 48 : index
        %get3A_526 = tpu.vector_load %arg8[%get3A_524, %get3A_525] {strides = array<i32>} : memref<200x64xf32, #tpu.memory_space<vmem>>, vector<1x16xf32>,
        %get3A_527 = vector.shape_cast %get3A_526 : vector<1x16xf32> to vector<16xf32>
        %get3A_528 = arith.index_cast %scan3A_481 : i32 to index
        %get3A_529 = arith.constant 48 : index
        %get3A_530 = tpu.vector_load %arg7[%get3A_528, %get3A_529] {strides = array<i32>} : memref<200x64xf32, #tpu.memory_space<vmem>>, vector<1x16xf32>,
        %get3A_531 = vector.shape_cast %get3A_530 : vector<1x16xf32> to vector<16xf32>
        %add3A_532 = arith.addf %get3A_527, %get3A_531 : vector<16xf32>
        %swap3A_533 = arith.index_cast %scan3A_481 : i32 to index
        %swap3A_534 = arith.constant 48 : index
        %swap3A_535 = tpu.vector_load %arg12[%swap3A_533, %swap3A_534] {strides = array<i32>} : memref<200x64xf32, #tpu.memory_space<vmem>>, vector<1x16xf32>,
        %swap3A_536 = vector.shape_cast %swap3A_535 : vector<1x16xf32> to vector<16xf32>
        %swap3A_537 = vector.shape_cast %add3A_532 : vector<16xf32> to vector<1x16xf32>
        tpu.vector_store %arg12[%swap3A_533, %swap3A_534], %swap3A_537 {strides = array<i32>} : memref<200x64xf32, #tpu.memory_space<vmem>>, vector<1x16xf32>,
      }
      %scan3A_136 = arith.constant 200 : i32
      %add3A_137 = arith.addi %mul3A_2, %add3A_104 : i32
      %mul3A_138 = arith.constant 200 : i32
      %mul3A_139 = arith.muli %add3A_137, %mul3A_138 : i32
      %dma_start3A_140 = arith.constant 0 : i32
      %dma_start3A_141 = tpu.memref_slice %arg5[%mul3A_139, %dma_start3A_140] : memref<819200x64xf32, #tpu.memory_space<hbm>> -> memref<200x64xf32, #tpu.memory_space<hbm>>
      %dma_start3A_142 = arith.constant 0 : i32
      %dma_start3A_143 = tpu.memref_slice %arg5[%mul3A_139, %dma_start3A_142] : memref<819200x64xf32, #tpu.memory_space<hbm>> -> memref<200x64xf32, #tpu.memory_space<hbm>>
      tpu.enqueue_dma source(%arg12 : memref<200x64xf32, #tpu.memory_space<vmem>>) target(%dma_start3A_143 : memref<200x64xf32, #tpu.memory_space<hbm>>) target_semaphore(%arg18 : memref<!tpu.dma_semaphore, #tpu.memory_space<semaphore_mem>>)
      %add3A_144 = arith.constant 4 : i32
      %add3A_145 = arith.addi %add3A_104, %add3A_144 : i32
      %lt3A = arith.constant 128 : i32
      %lt3A_146 = arith.cmpi slt, %add3A_145, %lt3A : i32
      %convert_element_type3A_147 = arith.extui %lt3A_146 : i1 to i32
      %cond3A_148 = arith.constant 0 : i32
      %cond3A_149 = arith.cmpi ne, %convert_element_type3A_147, %cond3A_148 : i32
      scf.if %cond3A_149 {
        %add3A_309 = arith.constant 4 : i32
        %add3A_310 = arith.addi %add3A_104, %add3A_309 : i32
        %mul3A_311 = arith.constant 2 : i32
        %mul3A_312 = arith.muli %mul3A_311, %add3A_310 : i32
        %dma_start3A_313 = arith.constant 0 : i32
        %dma_start3A_314 = arith.constant 0 : i32
        %dma_start3A_315 = tpu.memref_slice %arg8[%dma_start3A_313, %dma_start3A_314] : memref<200x64xf32, #tpu.memory_space<vmem>> -> memref<100x64xf32, #tpu.memory_space<vmem>>
        %dma_start3A_316 = arith.constant 0 : i32
        %dma_start3A_317 = tpu.memref_slice %arg6[%mul3A_312, %dma_start3A_316] : memref<256x100xi32, #tpu.memory_space<vmem>> -> memref<1x100xi32, #tpu.memory_space<vmem>>
        %dma_start3A_318 = tpu.memref_squeeze %dma_start3A_317 : memref<1x100xi32, #tpu.memory_space<vmem>> -> memref<100xi32, #tpu.memory_space<vmem>>
        %dma_start3A_319 = arith.constant 0 : i32
        %dma_start3A_320 = arith.constant 0 : i32
        %dma_start3A_321 = tpu.memref_slice %arg3[%dma_start3A_319, %dma_start3A_320] : memref<1000000x64xf32, #tpu.memory_space<hbm>> -> memref<1000000x64xf32, #tpu.memory_space<hbm>>
        tpu.enqueue_indirect_dma source(%dma_start3A_321 : memref<1000000x64xf32, #tpu.memory_space<hbm>>) target(%dma_start3A_315 : memref<100x64xf32, #tpu.memory_space<vmem>>) offsets(%dma_start3A_318 : memref<100xi32, #tpu.memory_space<vmem>>) semaphore(%arg14 : memref<!tpu.dma_semaphore, #tpu.memory_space<semaphore_mem>>)
        %mul3A_322 = arith.constant 2 : i32
        %mul3A_323 = arith.muli %mul3A_322, %add3A_310 : i32
        %add3A_324 = arith.constant 1 : i32
        %add3A_325 = arith.addi %mul3A_323, %add3A_324 : i32
        %dma_start3A_326 = arith.constant 100 : i32
        %dma_start3A_327 = arith.constant 0 : i32
        %dma_start3A_328 = tpu.memref_slice %arg8[%dma_start3A_326, %dma_start3A_327] : memref<200x64xf32, #tpu.memory_space<vmem>> -> memref<100x64xf32, #tpu.memory_space<vmem>>
        %dma_start3A_329 = arith.constant 0 : i32
        %dma_start3A_330 = tpu.memref_slice %arg6[%add3A_325, %dma_start3A_329] : memref<256x100xi32, #tpu.memory_space<vmem>> -> memref<1x100xi32, #tpu.memory_space<vmem>>
        %dma_start3A_331 = tpu.memref_squeeze %dma_start3A_330 : memref<1x100xi32, #tpu.memory_space<vmem>> -> memref<100xi32, #tpu.memory_space<vmem>>
        %dma_start3A_332 = arith.constant 0 : i32
        %dma_start3A_333 = arith.constant 0 : i32
        %dma_start3A_334 = tpu.memref_slice %arg3[%dma_start3A_332, %dma_start3A_333] : memref<1000000x64xf32, #tpu.memory_space<hbm>> -> memref<1000000x64xf32, #tpu.memory_space<hbm>>
        tpu.enqueue_indirect_dma source(%dma_start3A_334 : memref<1000000x64xf32, #tpu.memory_space<hbm>>) target(%dma_start3A_328 : memref<100x64xf32, #tpu.memory_space<vmem>>) offsets(%dma_start3A_331 : memref<100xi32, #tpu.memory_space<vmem>>) semaphore(%arg14 : memref<!tpu.dma_semaphore, #tpu.memory_space<semaphore_mem>>)
      } else {
      }
      %mul3A_150 = arith.constant 4 : i32
      %mul3A_151 = arith.muli %mul3A_150, %scan3A_100 : i32
      %add3A_152 = arith.constant 1 : i32
      %add3A_153 = arith.addi %mul3A_151, %add3A_152 : i32
      %mul3A_154 = arith.constant 2 : i32
      %mul3A_155 = arith.muli %mul3A_154, %add3A_153 : i32
      %dma_wait3A_156 = arith.constant 0 : i32
      %dma_wait3A_157 = arith.constant 0 : i32
      %dma_wait3A_158 = tpu.memref_slice %arg9[%dma_wait3A_156, %dma_wait3A_157] : memref<200x64xf32, #tpu.memory_space<vmem>> -> memref<100x64xf32, #tpu.memory_space<vmem>>
      %dma_wait3A_159 = arith.constant 0 : i32
      %dma_wait3A_160 = tpu.memref_slice %arg6[%mul3A_155, %dma_wait3A_159] : memref<256x100xi32, #tpu.memory_space<vmem>> -> memref<1x100xi32, #tpu.memory_space<vmem>>
      %dma_wait3A_161 = tpu.memref_squeeze %dma_wait3A_160 : memref<1x100xi32, #tpu.memory_space<vmem>> -> memref<100xi32, #tpu.memory_space<vmem>>
      %dma_wait3A_162 = arith.constant 0 : i32
      %dma_wait3A_163 = arith.constant 0 : i32
      %dma_wait3A_164 = tpu.memref_slice %arg3[%dma_wait3A_162, %dma_wait3A_163] : memref<1000000x64xf32, #tpu.memory_space<hbm>> -> memref<1000000x64xf32, #tpu.memory_space<hbm>>
      tpu.wait_indirect_dma semaphore(%arg15 : memref<!tpu.dma_semaphore, #tpu.memory_space<semaphore_mem>>) src(%dma_wait3A_164 : memref<1000000x64xf32, #tpu.memory_space<hbm>>) dst(%dma_wait3A_158 : memref<100x64xf32, #tpu.memory_space<vmem>>)
      %mul3A_165 = arith.constant 2 : i32
      %mul3A_166 = arith.muli %mul3A_165, %add3A_153 : i32
      %add3A_167 = arith.constant 1 : i32
      %add3A_168 = arith.addi %mul3A_166, %add3A_167 : i32
      %dma_wait3A_169 = arith.constant 100 : i32
      %dma_wait3A_170 = arith.constant 0 : i32
      %dma_wait3A_171 = tpu.memref_slice %arg9[%dma_wait3A_169, %dma_wait3A_170] : memref<200x64xf32, #tpu.memory_space<vmem>> -> memref<100x64xf32, #tpu.memory_space<vmem>>
      %dma_wait3A_172 = arith.constant 0 : i32
      %dma_wait3A_173 = tpu.memref_slice %arg6[%add3A_168, %dma_wait3A_172] : memref<256x100xi32, #tpu.memory_space<vmem>> -> memref<1x100xi32, #tpu.memory_space<vmem>>
      %dma_wait3A_174 = tpu.memref_squeeze %dma_wait3A_173 : memref<1x100xi32, #tpu.memory_space<vmem>> -> memref<100xi32, #tpu.memory_space<vmem>>
      %dma_wait3A_175 = arith.constant 0 : i32
      %dma_wait3A_176 = arith.constant 0 : i32
      %dma_wait3A_177 = tpu.memref_slice %arg3[%dma_wait3A_175, %dma_wait3A_176] : memref<1000000x64xf32, #tpu.memory_space<hbm>> -> memref<1000000x64xf32, #tpu.memory_space<hbm>>
      tpu.wait_indirect_dma semaphore(%arg15 : memref<!tpu.dma_semaphore, #tpu.memory_space<semaphore_mem>>) src(%dma_wait3A_177 : memref<1000000x64xf32, #tpu.memory_space<hbm>>) dst(%dma_wait3A_171 : memref<100x64xf32, #tpu.memory_space<vmem>>)
      %ge3A_178 = arith.constant 2 : i32
      %ge3A_179 = arith.cmpi sge, %add3A_153, %ge3A_178 : i32
      %convert_element_type3A_180 = arith.extui %ge3A_179 : i1 to i32
      %cond3A_181 = arith.constant 0 : i32
      %cond3A_182 = arith.cmpi ne, %convert_element_type3A_180, %cond3A_181 : i32
      scf.if %cond3A_182 {
        %dma_wait3A_309 = arith.constant 0 : i32
        %dma_wait3A_310 = arith.constant 0 : i32
        %dma_wait3A_311 = tpu.memref_slice %arg5[%dma_wait3A_309, %dma_wait3A_310] : memref<819200x64xf32, #tpu.memory_space<hbm>> -> memref<200x64xf32, #tpu.memory_space<hbm>>
        %dma_wait3A_312 = arith.constant 0 : i32
        %dma_wait3A_313 = arith.constant 0 : i32
        %dma_wait3A_314 = tpu.memref_slice %arg5[%dma_wait3A_312, %dma_wait3A_313] : memref<819200x64xf32, #tpu.memory_space<hbm>> -> memref<200x64xf32, #tpu.memory_space<hbm>>
        tpu.wait_dma2 semaphore(%arg19 : memref<!tpu.dma_semaphore, #tpu.memory_space<semaphore_mem>>) src(%arg13 : memref<200x64xf32, #tpu.memory_space<vmem>>) dst(%dma_wait3A_314 : memref<200x64xf32, #tpu.memory_space<hbm>>)
      } else {
      }
      %scan3A_183 = arith.constant 0 : i32
      %scan3A_184 = arith.constant 0 : i32
      %scan3A_185 = arith.constant 200 : i32
      %scan3A_186 = arith.addi %scan3A_184, %scan3A_185 : i32
      %scan3A_187 = arith.constant 4 : i32
      scf.for %scan3A_309 = %scan3A_184 to %scan3A_186 step %scan3A_187  : i32 {
        %get3A = arith.index_cast %scan3A_309 : i32 to index
        %get3A_310 = arith.constant 0 : index
        %get3A_311 = tpu.vector_load %arg9[%get3A, %get3A_310] {strides = array<i32>} : memref<200x64xf32, #tpu.memory_space<vmem>>, vector<1x16xf32>,
        %get3A_312 = vector.shape_cast %get3A_311 : vector<1x16xf32> to vector<16xf32>
        %get3A_313 = arith.index_cast %scan3A_309 : i32 to index
        %get3A_314 = arith.constant 0 : index
        %get3A_315 = tpu.vector_load %arg7[%get3A_313, %get3A_314] {strides = array<i32>} : memref<200x64xf32, #tpu.memory_space<vmem>>, vector<1x16xf32>,
        %get3A_316 = vector.shape_cast %get3A_315 : vector<1x16xf32> to vector<16xf32>
        %add3A_317 = arith.addf %get3A_312, %get3A_316 : vector<16xf32>
        %swap3A = arith.index_cast %scan3A_309 : i32 to index
        %swap3A_318 = arith.constant 0 : index
        %swap3A_319 = tpu.vector_load %arg13[%swap3A, %swap3A_318] {strides = array<i32>} : memref<200x64xf32, #tpu.memory_space<vmem>>, vector<1x16xf32>,
        %swap3A_320 = vector.shape_cast %swap3A_319 : vector<1x16xf32> to vector<16xf32>
        %swap3A_321 = vector.shape_cast %add3A_317 : vector<16xf32> to vector<1x16xf32>
        tpu.vector_store %arg13[%swap3A, %swap3A_318], %swap3A_321 {strides = array<i32>} : memref<200x64xf32, #tpu.memory_space<vmem>>, vector<1x16xf32>,
        %get3A_322 = arith.index_cast %scan3A_309 : i32 to index
        %get3A_323 = arith.constant 16 : index
        %get3A_324 = tpu.vector_load %arg9[%get3A_322, %get3A_323] {strides = array<i32>} : memref<200x64xf32, #tpu.memory_space<vmem>>, vector<1x16xf32>,
        %get3A_325 = vector.shape_cast %get3A_324 : vector<1x16xf32> to vector<16xf32>
        %get3A_326 = arith.index_cast %scan3A_309 : i32 to index
        %get3A_327 = arith.constant 16 : index
        %get3A_328 = tpu.vector_load %arg7[%get3A_326, %get3A_327] {strides = array<i32>} : memref<200x64xf32, #tpu.memory_space<vmem>>, vector<1x16xf32>,
        %get3A_329 = vector.shape_cast %get3A_328 : vector<1x16xf32> to vector<16xf32>
        %add3A_330 = arith.addf %get3A_325, %get3A_329 : vector<16xf32>
        %swap3A_331 = arith.index_cast %scan3A_309 : i32 to index
        %swap3A_332 = arith.constant 16 : index
        %swap3A_333 = tpu.vector_load %arg13[%swap3A_331, %swap3A_332] {strides = array<i32>} : memref<200x64xf32, #tpu.memory_space<vmem>>, vector<1x16xf32>,
        %swap3A_334 = vector.shape_cast %swap3A_333 : vector<1x16xf32> to vector<16xf32>
        %swap3A_335 = vector.shape_cast %add3A_330 : vector<16xf32> to vector<1x16xf32>
        tpu.vector_store %arg13[%swap3A_331, %swap3A_332], %swap3A_335 {strides = array<i32>} : memref<200x64xf32, #tpu.memory_space<vmem>>, vector<1x16xf32>,
        %get3A_336 = arith.index_cast %scan3A_309 : i32 to index
        %get3A_337 = arith.constant 32 : index
        %get3A_338 = tpu.vector_load %arg9[%get3A_336, %get3A_337] {strides = array<i32>} : memref<200x64xf32, #tpu.memory_space<vmem>>, vector<1x16xf32>,
        %get3A_339 = vector.shape_cast %get3A_338 : vector<1x16xf32> to vector<16xf32>
        %get3A_340 = arith.index_cast %scan3A_309 : i32 to index
        %get3A_341 = arith.constant 32 : index
        %get3A_342 = tpu.vector_load %arg7[%get3A_340, %get3A_341] {strides = array<i32>} : memref<200x64xf32, #tpu.memory_space<vmem>>, vector<1x16xf32>,
        %get3A_343 = vector.shape_cast %get3A_342 : vector<1x16xf32> to vector<16xf32>
        %add3A_344 = arith.addf %get3A_339, %get3A_343 : vector<16xf32>
        %swap3A_345 = arith.index_cast %scan3A_309 : i32 to index
        %swap3A_346 = arith.constant 32 : index
        %swap3A_347 = tpu.vector_load %arg13[%swap3A_345, %swap3A_346] {strides = array<i32>} : memref<200x64xf32, #tpu.memory_space<vmem>>, vector<1x16xf32>,
        %swap3A_348 = vector.shape_cast %swap3A_347 : vector<1x16xf32> to vector<16xf32>
        %swap3A_349 = vector.shape_cast %add3A_344 : vector<16xf32> to vector<1x16xf32>
        tpu.vector_store %arg13[%swap3A_345, %swap3A_346], %swap3A_349 {strides = array<i32>} : memref<200x64xf32, #tpu.memory_space<vmem>>, vector<1x16xf32>,
        %get3A_350 = arith.index_cast %scan3A_309 : i32 to index
        %get3A_351 = arith.constant 48 : index
        %get3A_352 = tpu.vector_load %arg9[%get3A_350, %get3A_351] {strides = array<i32>} : memref<200x64xf32, #tpu.memory_space<vmem>>, vector<1x16xf32>,
        %get3A_353 = vector.shape_cast %get3A_352 : vector<1x16xf32> to vector<16xf32>
        %get3A_354 = arith.index_cast %scan3A_309 : i32 to index
        %get3A_355 = arith.constant 48 : index
        %get3A_356 = tpu.vector_load %arg7[%get3A_354, %get3A_355] {strides = array<i32>} : memref<200x64xf32, #tpu.memory_space<vmem>>, vector<1x16xf32>,
        %get3A_357 = vector.shape_cast %get3A_356 : vector<1x16xf32> to vector<16xf32>
        %add3A_358 = arith.addf %get3A_353, %get3A_357 : vector<16xf32>
        %swap3A_359 = arith.index_cast %scan3A_309 : i32 to index
        %swap3A_360 = arith.constant 48 : index
        %swap3A_361 = tpu.vector_load %arg13[%swap3A_359, %swap3A_360] {strides = array<i32>} : memref<200x64xf32, #tpu.memory_space<vmem>>, vector<1x16xf32>,
        %swap3A_362 = vector.shape_cast %swap3A_361 : vector<1x16xf32> to vector<16xf32>
        %swap3A_363 = vector.shape_cast %add3A_358 : vector<16xf32> to vector<1x16xf32>
        tpu.vector_store %arg13[%swap3A_359, %swap3A_360], %swap3A_363 {strides = array<i32>} : memref<200x64xf32, #tpu.memory_space<vmem>>, vector<1x16xf32>,
        %scan3A_364 = arith.constant 1 : i32
        %scan3A_365 = arith.addi %scan3A_309, %scan3A_364 : i32
        %get3A_366 = arith.index_cast %scan3A_365 : i32 to index
        %get3A_367 = arith.constant 0 : index
        %get3A_368 = tpu.vector_load %arg9[%get3A_366, %get3A_367] {strides = array<i32>} : memref<200x64xf32, #tpu.memory_space<vmem>>, vector<1x16xf32>,
        %get3A_369 = vector.shape_cast %get3A_368 : vector<1x16xf32> to vector<16xf32>
        %get3A_370 = arith.index_cast %scan3A_365 : i32 to index
        %get3A_371 = arith.constant 0 : index
        %get3A_372 = tpu.vector_load %arg7[%get3A_370, %get3A_371] {strides = array<i32>} : memref<200x64xf32, #tpu.memory_space<vmem>>, vector<1x16xf32>,
        %get3A_373 = vector.shape_cast %get3A_372 : vector<1x16xf32> to vector<16xf32>
        %add3A_374 = arith.addf %get3A_369, %get3A_373 : vector<16xf32>
        %swap3A_375 = arith.index_cast %scan3A_365 : i32 to index
        %swap3A_376 = arith.constant 0 : index
        %swap3A_377 = tpu.vector_load %arg13[%swap3A_375, %swap3A_376] {strides = array<i32>} : memref<200x64xf32, #tpu.memory_space<vmem>>, vector<1x16xf32>,
        %swap3A_378 = vector.shape_cast %swap3A_377 : vector<1x16xf32> to vector<16xf32>
        %swap3A_379 = vector.shape_cast %add3A_374 : vector<16xf32> to vector<1x16xf32>
        tpu.vector_store %arg13[%swap3A_375, %swap3A_376], %swap3A_379 {strides = array<i32>} : memref<200x64xf32, #tpu.memory_space<vmem>>, vector<1x16xf32>,
        %get3A_380 = arith.index_cast %scan3A_365 : i32 to index
        %get3A_381 = arith.constant 16 : index
        %get3A_382 = tpu.vector_load %arg9[%get3A_380, %get3A_381] {strides = array<i32>} : memref<200x64xf32, #tpu.memory_space<vmem>>, vector<1x16xf32>,
        %get3A_383 = vector.shape_cast %get3A_382 : vector<1x16xf32> to vector<16xf32>
        %get3A_384 = arith.index_cast %scan3A_365 : i32 to index
        %get3A_385 = arith.constant 16 : index
        %get3A_386 = tpu.vector_load %arg7[%get3A_384, %get3A_385] {strides = array<i32>} : memref<200x64xf32, #tpu.memory_space<vmem>>, vector<1x16xf32>,
        %get3A_387 = vector.shape_cast %get3A_386 : vector<1x16xf32> to vector<16xf32>
        %add3A_388 = arith.addf %get3A_383, %get3A_387 : vector<16xf32>
        %swap3A_389 = arith.index_cast %scan3A_365 : i32 to index
        %swap3A_390 = arith.constant 16 : index
        %swap3A_391 = tpu.vector_load %arg13[%swap3A_389, %swap3A_390] {strides = array<i32>} : memref<200x64xf32, #tpu.memory_space<vmem>>, vector<1x16xf32>,
        %swap3A_392 = vector.shape_cast %swap3A_391 : vector<1x16xf32> to vector<16xf32>
        %swap3A_393 = vector.shape_cast %add3A_388 : vector<16xf32> to vector<1x16xf32>
        tpu.vector_store %arg13[%swap3A_389, %swap3A_390], %swap3A_393 {strides = array<i32>} : memref<200x64xf32, #tpu.memory_space<vmem>>, vector<1x16xf32>,
        %get3A_394 = arith.index_cast %scan3A_365 : i32 to index
        %get3A_395 = arith.constant 32 : index
        %get3A_396 = tpu.vector_load %arg9[%get3A_394, %get3A_395] {strides = array<i32>} : memref<200x64xf32, #tpu.memory_space<vmem>>, vector<1x16xf32>,
        %get3A_397 = vector.shape_cast %get3A_396 : vector<1x16xf32> to vector<16xf32>
        %get3A_398 = arith.index_cast %scan3A_365 : i32 to index
        %get3A_399 = arith.constant 32 : index
        %get3A_400 = tpu.vector_load %arg7[%get3A_398, %get3A_399] {strides = array<i32>} : memref<200x64xf32, #tpu.memory_space<vmem>>, vector<1x16xf32>,
        %get3A_401 = vector.shape_cast %get3A_400 : vector<1x16xf32> to vector<16xf32>
        %add3A_402 = arith.addf %get3A_397, %get3A_401 : vector<16xf32>
        %swap3A_403 = arith.index_cast %scan3A_365 : i32 to index
        %swap3A_404 = arith.constant 32 : index
        %swap3A_405 = tpu.vector_load %arg13[%swap3A_403, %swap3A_404] {strides = array<i32>} : memref<200x64xf32, #tpu.memory_space<vmem>>, vector<1x16xf32>,
        %swap3A_406 = vector.shape_cast %swap3A_405 : vector<1x16xf32> to vector<16xf32>
        %swap3A_407 = vector.shape_cast %add3A_402 : vector<16xf32> to vector<1x16xf32>
        tpu.vector_store %arg13[%swap3A_403, %swap3A_404], %swap3A_407 {strides = array<i32>} : memref<200x64xf32, #tpu.memory_space<vmem>>, vector<1x16xf32>,
        %get3A_408 = arith.index_cast %scan3A_365 : i32 to index
        %get3A_409 = arith.constant 48 : index
        %get3A_410 = tpu.vector_load %arg9[%get3A_408, %get3A_409] {strides = array<i32>} : memref<200x64xf32, #tpu.memory_space<vmem>>, vector<1x16xf32>,
        %get3A_411 = vector.shape_cast %get3A_410 : vector<1x16xf32> to vector<16xf32>
        %get3A_412 = arith.index_cast %scan3A_365 : i32 to index
        %get3A_413 = arith.constant 48 : index
        %get3A_414 = tpu.vector_load %arg7[%get3A_412, %get3A_413] {strides = array<i32>} : memref<200x64xf32, #tpu.memory_space<vmem>>, vector<1x16xf32>,
        %get3A_415 = vector.shape_cast %get3A_414 : vector<1x16xf32> to vector<16xf32>
        %add3A_416 = arith.addf %get3A_411, %get3A_415 : vector<16xf32>
        %swap3A_417 = arith.index_cast %scan3A_365 : i32 to index
        %swap3A_418 = arith.constant 48 : index
        %swap3A_419 = tpu.vector_load %arg13[%swap3A_417, %swap3A_418] {strides = array<i32>} : memref<200x64xf32, #tpu.memory_space<vmem>>, vector<1x16xf32>,
        %swap3A_420 = vector.shape_cast %swap3A_419 : vector<1x16xf32> to vector<16xf32>
        %swap3A_421 = vector.shape_cast %add3A_416 : vector<16xf32> to vector<1x16xf32>
        tpu.vector_store %arg13[%swap3A_417, %swap3A_418], %swap3A_421 {strides = array<i32>} : memref<200x64xf32, #tpu.memory_space<vmem>>, vector<1x16xf32>,
        %scan3A_422 = arith.constant 2 : i32
        %scan3A_423 = arith.addi %scan3A_309, %scan3A_422 : i32
        %get3A_424 = arith.index_cast %scan3A_423 : i32 to index
        %get3A_425 = arith.constant 0 : index
        %get3A_426 = tpu.vector_load %arg9[%get3A_424, %get3A_425] {strides = array<i32>} : memref<200x64xf32, #tpu.memory_space<vmem>>, vector<1x16xf32>,
        %get3A_427 = vector.shape_cast %get3A_426 : vector<1x16xf32> to vector<16xf32>
        %get3A_428 = arith.index_cast %scan3A_423 : i32 to index
        %get3A_429 = arith.constant 0 : index
        %get3A_430 = tpu.vector_load %arg7[%get3A_428, %get3A_429] {strides = array<i32>} : memref<200x64xf32, #tpu.memory_space<vmem>>, vector<1x16xf32>,
        %get3A_431 = vector.shape_cast %get3A_430 : vector<1x16xf32> to vector<16xf32>
        %add3A_432 = arith.addf %get3A_427, %get3A_431 : vector<16xf32>
        %swap3A_433 = arith.index_cast %scan3A_423 : i32 to index
        %swap3A_434 = arith.constant 0 : index
        %swap3A_435 = tpu.vector_load %arg13[%swap3A_433, %swap3A_434] {strides = array<i32>} : memref<200x64xf32, #tpu.memory_space<vmem>>, vector<1x16xf32>,
        %swap3A_436 = vector.shape_cast %swap3A_435 : vector<1x16xf32> to vector<16xf32>
        %swap3A_437 = vector.shape_cast %add3A_432 : vector<16xf32> to vector<1x16xf32>
        tpu.vector_store %arg13[%swap3A_433, %swap3A_434], %swap3A_437 {strides = array<i32>} : memref<200x64xf32, #tpu.memory_space<vmem>>, vector<1x16xf32>,
        %get3A_438 = arith.index_cast %scan3A_423 : i32 to index
        %get3A_439 = arith.constant 16 : index
        %get3A_440 = tpu.vector_load %arg9[%get3A_438, %get3A_439] {strides = array<i32>} : memref<200x64xf32, #tpu.memory_space<vmem>>, vector<1x16xf32>,
        %get3A_441 = vector.shape_cast %get3A_440 : vector<1x16xf32> to vector<16xf32>
        %get3A_442 = arith.index_cast %scan3A_423 : i32 to index
        %get3A_443 = arith.constant 16 : index
        %get3A_444 = tpu.vector_load %arg7[%get3A_442, %get3A_443] {strides = array<i32>} : memref<200x64xf32, #tpu.memory_space<vmem>>, vector<1x16xf32>,
        %get3A_445 = vector.shape_cast %get3A_444 : vector<1x16xf32> to vector<16xf32>
        %add3A_446 = arith.addf %get3A_441, %get3A_445 : vector<16xf32>
        %swap3A_447 = arith.index_cast %scan3A_423 : i32 to index
        %swap3A_448 = arith.constant 16 : index
        %swap3A_449 = tpu.vector_load %arg13[%swap3A_447, %swap3A_448] {strides = array<i32>} : memref<200x64xf32, #tpu.memory_space<vmem>>, vector<1x16xf32>,
        %swap3A_450 = vector.shape_cast %swap3A_449 : vector<1x16xf32> to vector<16xf32>
        %swap3A_451 = vector.shape_cast %add3A_446 : vector<16xf32> to vector<1x16xf32>
        tpu.vector_store %arg13[%swap3A_447, %swap3A_448], %swap3A_451 {strides = array<i32>} : memref<200x64xf32, #tpu.memory_space<vmem>>, vector<1x16xf32>,
        %get3A_452 = arith.index_cast %scan3A_423 : i32 to index
        %get3A_453 = arith.constant 32 : index
        %get3A_454 = tpu.vector_load %arg9[%get3A_452, %get3A_453] {strides = array<i32>} : memref<200x64xf32, #tpu.memory_space<vmem>>, vector<1x16xf32>,
        %get3A_455 = vector.shape_cast %get3A_454 : vector<1x16xf32> to vector<16xf32>
        %get3A_456 = arith.index_cast %scan3A_423 : i32 to index
        %get3A_457 = arith.constant 32 : index
        %get3A_458 = tpu.vector_load %arg7[%get3A_456, %get3A_457] {strides = array<i32>} : memref<200x64xf32, #tpu.memory_space<vmem>>, vector<1x16xf32>,
        %get3A_459 = vector.shape_cast %get3A_458 : vector<1x16xf32> to vector<16xf32>
        %add3A_460 = arith.addf %get3A_455, %get3A_459 : vector<16xf32>
        %swap3A_461 = arith.index_cast %scan3A_423 : i32 to index
        %swap3A_462 = arith.constant 32 : index
        %swap3A_463 = tpu.vector_load %arg13[%swap3A_461, %swap3A_462] {strides = array<i32>} : memref<200x64xf32, #tpu.memory_space<vmem>>, vector<1x16xf32>,
        %swap3A_464 = vector.shape_cast %swap3A_463 : vector<1x16xf32> to vector<16xf32>
        %swap3A_465 = vector.shape_cast %add3A_460 : vector<16xf32> to vector<1x16xf32>
        tpu.vector_store %arg13[%swap3A_461, %swap3A_462], %swap3A_465 {strides = array<i32>} : memref<200x64xf32, #tpu.memory_space<vmem>>, vector<1x16xf32>,
        %get3A_466 = arith.index_cast %scan3A_423 : i32 to index
        %get3A_467 = arith.constant 48 : index
        %get3A_468 = tpu.vector_load %arg9[%get3A_466, %get3A_467] {strides = array<i32>} : memref<200x64xf32, #tpu.memory_space<vmem>>, vector<1x16xf32>,
        %get3A_469 = vector.shape_cast %get3A_468 : vector<1x16xf32> to vector<16xf32>
        %get3A_470 = arith.index_cast %scan3A_423 : i32 to index
        %get3A_471 = arith.constant 48 : index
        %get3A_472 = tpu.vector_load %arg7[%get3A_470, %get3A_471] {strides = array<i32>} : memref<200x64xf32, #tpu.memory_space<vmem>>, vector<1x16xf32>,
        %get3A_473 = vector.shape_cast %get3A_472 : vector<1x16xf32> to vector<16xf32>
        %add3A_474 = arith.addf %get3A_469, %get3A_473 : vector<16xf32>
        %swap3A_475 = arith.index_cast %scan3A_423 : i32 to index
        %swap3A_476 = arith.constant 48 : index
        %swap3A_477 = tpu.vector_load %arg13[%swap3A_475, %swap3A_476] {strides = array<i32>} : memref<200x64xf32, #tpu.memory_space<vmem>>, vector<1x16xf32>,
        %swap3A_478 = vector.shape_cast %swap3A_477 : vector<1x16xf32> to vector<16xf32>
        %swap3A_479 = vector.shape_cast %add3A_474 : vector<16xf32> to vector<1x16xf32>
        tpu.vector_store %arg13[%swap3A_475, %swap3A_476], %swap3A_479 {strides = array<i32>} : memref<200x64xf32, #tpu.memory_space<vmem>>, vector<1x16xf32>,
        %scan3A_480 = arith.constant 3 : i32
        %scan3A_481 = arith.addi %scan3A_309, %scan3A_480 : i32
        %get3A_482 = arith.index_cast %scan3A_481 : i32 to index
        %get3A_483 = arith.constant 0 : index
        %get3A_484 = tpu.vector_load %arg9[%get3A_482, %get3A_483] {strides = array<i32>} : memref<200x64xf32, #tpu.memory_space<vmem>>, vector<1x16xf32>,
        %get3A_485 = vector.shape_cast %get3A_484 : vector<1x16xf32> to vector<16xf32>
        %get3A_486 = arith.index_cast %scan3A_481 : i32 to index
        %get3A_487 = arith.constant 0 : index
        %get3A_488 = tpu.vector_load %arg7[%get3A_486, %get3A_487] {strides = array<i32>} : memref<200x64xf32, #tpu.memory_space<vmem>>, vector<1x16xf32>,
        %get3A_489 = vector.shape_cast %get3A_488 : vector<1x16xf32> to vector<16xf32>
        %add3A_490 = arith.addf %get3A_485, %get3A_489 : vector<16xf32>
        %swap3A_491 = arith.index_cast %scan3A_481 : i32 to index
        %swap3A_492 = arith.constant 0 : index
        %swap3A_493 = tpu.vector_load %arg13[%swap3A_491, %swap3A_492] {strides = array<i32>} : memref<200x64xf32, #tpu.memory_space<vmem>>, vector<1x16xf32>,
        %swap3A_494 = vector.shape_cast %swap3A_493 : vector<1x16xf32> to vector<16xf32>
        %swap3A_495 = vector.shape_cast %add3A_490 : vector<16xf32> to vector<1x16xf32>
        tpu.vector_store %arg13[%swap3A_491, %swap3A_492], %swap3A_495 {strides = array<i32>} : memref<200x64xf32, #tpu.memory_space<vmem>>, vector<1x16xf32>,
        %get3A_496 = arith.index_cast %scan3A_481 : i32 to index
        %get3A_497 = arith.constant 16 : index
        %get3A_498 = tpu.vector_load %arg9[%get3A_496, %get3A_497] {strides = array<i32>} : memref<200x64xf32, #tpu.memory_space<vmem>>, vector<1x16xf32>,
        %get3A_499 = vector.shape_cast %get3A_498 : vector<1x16xf32> to vector<16xf32>
        %get3A_500 = arith.index_cast %scan3A_481 : i32 to index
        %get3A_501 = arith.constant 16 : index
        %get3A_502 = tpu.vector_load %arg7[%get3A_500, %get3A_501] {strides = array<i32>} : memref<200x64xf32, #tpu.memory_space<vmem>>, vector<1x16xf32>,
        %get3A_503 = vector.shape_cast %get3A_502 : vector<1x16xf32> to vector<16xf32>
        %add3A_504 = arith.addf %get3A_499, %get3A_503 : vector<16xf32>
        %swap3A_505 = arith.index_cast %scan3A_481 : i32 to index
        %swap3A_506 = arith.constant 16 : index
        %swap3A_507 = tpu.vector_load %arg13[%swap3A_505, %swap3A_506] {strides = array<i32>} : memref<200x64xf32, #tpu.memory_space<vmem>>, vector<1x16xf32>,
        %swap3A_508 = vector.shape_cast %swap3A_507 : vector<1x16xf32> to vector<16xf32>
        %swap3A_509 = vector.shape_cast %add3A_504 : vector<16xf32> to vector<1x16xf32>
        tpu.vector_store %arg13[%swap3A_505, %swap3A_506], %swap3A_509 {strides = array<i32>} : memref<200x64xf32, #tpu.memory_space<vmem>>, vector<1x16xf32>,
        %get3A_510 = arith.index_cast %scan3A_481 : i32 to index
        %get3A_511 = arith.constant 32 : index
        %get3A_512 = tpu.vector_load %arg9[%get3A_510, %get3A_511] {strides = array<i32>} : memref<200x64xf32, #tpu.memory_space<vmem>>, vector<1x16xf32>,
        %get3A_513 = vector.shape_cast %get3A_512 : vector<1x16xf32> to vector<16xf32>
        %get3A_514 = arith.index_cast %scan3A_481 : i32 to index
        %get3A_515 = arith.constant 32 : index
        %get3A_516 = tpu.vector_load %arg7[%get3A_514, %get3A_515] {strides = array<i32>} : memref<200x64xf32, #tpu.memory_space<vmem>>, vector<1x16xf32>,
        %get3A_517 = vector.shape_cast %get3A_516 : vector<1x16xf32> to vector<16xf32>
        %add3A_518 = arith.addf %get3A_513, %get3A_517 : vector<16xf32>
        %swap3A_519 = arith.index_cast %scan3A_481 : i32 to index
        %swap3A_520 = arith.constant 32 : index
        %swap3A_521 = tpu.vector_load %arg13[%swap3A_519, %swap3A_520] {strides = array<i32>} : memref<200x64xf32, #tpu.memory_space<vmem>>, vector<1x16xf32>,
        %swap3A_522 = vector.shape_cast %swap3A_521 : vector<1x16xf32> to vector<16xf32>
        %swap3A_523 = vector.shape_cast %add3A_518 : vector<16xf32> to vector<1x16xf32>
        tpu.vector_store %arg13[%swap3A_519, %swap3A_520], %swap3A_523 {strides = array<i32>} : memref<200x64xf32, #tpu.memory_space<vmem>>, vector<1x16xf32>,
        %get3A_524 = arith.index_cast %scan3A_481 : i32 to index
        %get3A_525 = arith.constant 48 : index
        %get3A_526 = tpu.vector_load %arg9[%get3A_524, %get3A_525] {strides = array<i32>} : memref<200x64xf32, #tpu.memory_space<vmem>>, vector<1x16xf32>,
        %get3A_527 = vector.shape_cast %get3A_526 : vector<1x16xf32> to vector<16xf32>
        %get3A_528 = arith.index_cast %scan3A_481 : i32 to index
        %get3A_529 = arith.constant 48 : index
        %get3A_530 = tpu.vector_load %arg7[%get3A_528, %get3A_529] {strides = array<i32>} : memref<200x64xf32, #tpu.memory_space<vmem>>, vector<1x16xf32>,
        %get3A_531 = vector.shape_cast %get3A_530 : vector<1x16xf32> to vector<16xf32>
        %add3A_532 = arith.addf %get3A_527, %get3A_531 : vector<16xf32>
        %swap3A_533 = arith.index_cast %scan3A_481 : i32 to index
        %swap3A_534 = arith.constant 48 : index
        %swap3A_535 = tpu.vector_load %arg13[%swap3A_533, %swap3A_534] {strides = array<i32>} : memref<200x64xf32, #tpu.memory_space<vmem>>, vector<1x16xf32>,
        %swap3A_536 = vector.shape_cast %swap3A_535 : vector<1x16xf32> to vector<16xf32>
        %swap3A_537 = vector.shape_cast %add3A_532 : vector<16xf32> to vector<1x16xf32>
        tpu.vector_store %arg13[%swap3A_533, %swap3A_534], %swap3A_537 {strides = array<i32>} : memref<200x64xf32, #tpu.memory_space<vmem>>, vector<1x16xf32>,
      }
      %scan3A_188 = arith.constant 200 : i32
      %add3A_189 = arith.addi %mul3A_2, %add3A_153 : i32
      %mul3A_190 = arith.constant 200 : i32
      %mul3A_191 = arith.muli %add3A_189, %mul3A_190 : i32
      %dma_start3A_192 = arith.constant 0 : i32
      %dma_start3A_193 = tpu.memref_slice %arg5[%mul3A_191, %dma_start3A_192] : memref<819200x64xf32, #tpu.memory_space<hbm>> -> memref<200x64xf32, #tpu.memory_space<hbm>>
      %dma_start3A_194 = arith.constant 0 : i32
      %dma_start3A_195 = tpu.memref_slice %arg5[%mul3A_191, %dma_start3A_194] : memref<819200x64xf32, #tpu.memory_space<hbm>> -> memref<200x64xf32, #tpu.memory_space<hbm>>
      tpu.enqueue_dma source(%arg13 : memref<200x64xf32, #tpu.memory_space<vmem>>) target(%dma_start3A_195 : memref<200x64xf32, #tpu.memory_space<hbm>>) target_semaphore(%arg19 : memref<!tpu.dma_semaphore, #tpu.memory_space<semaphore_mem>>)
      %add3A_196 = arith.constant 4 : i32
      %add3A_197 = arith.addi %add3A_153, %add3A_196 : i32
      %lt3A_198 = arith.constant 128 : i32
      %lt3A_199 = arith.cmpi slt, %add3A_197, %lt3A_198 : i32
      %convert_element_type3A_200 = arith.extui %lt3A_199 : i1 to i32
      %cond3A_201 = arith.constant 0 : i32
      %cond3A_202 = arith.cmpi ne, %convert_element_type3A_200, %cond3A_201 : i32
      scf.if %cond3A_202 {
        %add3A_309 = arith.constant 4 : i32
        %add3A_310 = arith.addi %add3A_153, %add3A_309 : i32
        %mul3A_311 = arith.constant 2 : i32
        %mul3A_312 = arith.muli %mul3A_311, %add3A_310 : i32
        %dma_start3A_313 = arith.constant 0 : i32
        %dma_start3A_314 = arith.constant 0 : i32
        %dma_start3A_315 = tpu.memref_slice %arg9[%dma_start3A_313, %dma_start3A_314] : memref<200x64xf32, #tpu.memory_space<vmem>> -> memref<100x64xf32, #tpu.memory_space<vmem>>
        %dma_start3A_316 = arith.constant 0 : i32
        %dma_start3A_317 = tpu.memref_slice %arg6[%mul3A_312, %dma_start3A_316] : memref<256x100xi32, #tpu.memory_space<vmem>> -> memref<1x100xi32, #tpu.memory_space<vmem>>
        %dma_start3A_318 = tpu.memref_squeeze %dma_start3A_317 : memref<1x100xi32, #tpu.memory_space<vmem>> -> memref<100xi32, #tpu.memory_space<vmem>>
        %dma_start3A_319 = arith.constant 0 : i32
        %dma_start3A_320 = arith.constant 0 : i32
        %dma_start3A_321 = tpu.memref_slice %arg3[%dma_start3A_319, %dma_start3A_320] : memref<1000000x64xf32, #tpu.memory_space<hbm>> -> memref<1000000x64xf32, #tpu.memory_space<hbm>>
        tpu.enqueue_indirect_dma source(%dma_start3A_321 : memref<1000000x64xf32, #tpu.memory_space<hbm>>) target(%dma_start3A_315 : memref<100x64xf32, #tpu.memory_space<vmem>>) offsets(%dma_start3A_318 : memref<100xi32, #tpu.memory_space<vmem>>) semaphore(%arg15 : memref<!tpu.dma_semaphore, #tpu.memory_space<semaphore_mem>>)
        %mul3A_322 = arith.constant 2 : i32
        %mul3A_323 = arith.muli %mul3A_322, %add3A_310 : i32
        %add3A_324 = arith.constant 1 : i32
        %add3A_325 = arith.addi %mul3A_323, %add3A_324 : i32
        %dma_start3A_326 = arith.constant 100 : i32
        %dma_start3A_327 = arith.constant 0 : i32
        %dma_start3A_328 = tpu.memref_slice %arg9[%dma_start3A_326, %dma_start3A_327] : memref<200x64xf32, #tpu.memory_space<vmem>> -> memref<100x64xf32, #tpu.memory_space<vmem>>
        %dma_start3A_329 = arith.constant 0 : i32
        %dma_start3A_330 = tpu.memref_slice %arg6[%add3A_325, %dma_start3A_329] : memref<256x100xi32, #tpu.memory_space<vmem>> -> memref<1x100xi32, #tpu.memory_space<vmem>>
        %dma_start3A_331 = tpu.memref_squeeze %dma_start3A_330 : memref<1x100xi32, #tpu.memory_space<vmem>> -> memref<100xi32, #tpu.memory_space<vmem>>
        %dma_start3A_332 = arith.constant 0 : i32
        %dma_start3A_333 = arith.constant 0 : i32
        %dma_start3A_334 = tpu.memref_slice %arg3[%dma_start3A_332, %dma_start3A_333] : memref<1000000x64xf32, #tpu.memory_space<hbm>> -> memref<1000000x64xf32, #tpu.memory_space<hbm>>
        tpu.enqueue_indirect_dma source(%dma_start3A_334 : memref<1000000x64xf32, #tpu.memory_space<hbm>>) target(%dma_start3A_328 : memref<100x64xf32, #tpu.memory_space<vmem>>) offsets(%dma_start3A_331 : memref<100xi32, #tpu.memory_space<vmem>>) semaphore(%arg15 : memref<!tpu.dma_semaphore, #tpu.memory_space<semaphore_mem>>)
      } else {
      }
      %mul3A_203 = arith.constant 4 : i32
      %mul3A_204 = arith.muli %mul3A_203, %scan3A_100 : i32
      %add3A_205 = arith.constant 2 : i32
      %add3A_206 = arith.addi %mul3A_204, %add3A_205 : i32
      %mul3A_207 = arith.constant 2 : i32
      %mul3A_208 = arith.muli %mul3A_207, %add3A_206 : i32
      %dma_wait3A_209 = arith.constant 0 : i32
      %dma_wait3A_210 = arith.constant 0 : i32
      %dma_wait3A_211 = tpu.memref_slice %arg10[%dma_wait3A_209, %dma_wait3A_210] : memref<200x64xf32, #tpu.memory_space<vmem>> -> memref<100x64xf32, #tpu.memory_space<vmem>>
      %dma_wait3A_212 = arith.constant 0 : i32
      %dma_wait3A_213 = tpu.memref_slice %arg6[%mul3A_208, %dma_wait3A_212] : memref<256x100xi32, #tpu.memory_space<vmem>> -> memref<1x100xi32, #tpu.memory_space<vmem>>
      %dma_wait3A_214 = tpu.memref_squeeze %dma_wait3A_213 : memref<1x100xi32, #tpu.memory_space<vmem>> -> memref<100xi32, #tpu.memory_space<vmem>>
      %dma_wait3A_215 = arith.constant 0 : i32
      %dma_wait3A_216 = arith.constant 0 : i32
      %dma_wait3A_217 = tpu.memref_slice %arg3[%dma_wait3A_215, %dma_wait3A_216] : memref<1000000x64xf32, #tpu.memory_space<hbm>> -> memref<1000000x64xf32, #tpu.memory_space<hbm>>
      tpu.wait_indirect_dma semaphore(%arg16 : memref<!tpu.dma_semaphore, #tpu.memory_space<semaphore_mem>>) src(%dma_wait3A_217 : memref<1000000x64xf32, #tpu.memory_space<hbm>>) dst(%dma_wait3A_211 : memref<100x64xf32, #tpu.memory_space<vmem>>)
      %mul3A_218 = arith.constant 2 : i32
      %mul3A_219 = arith.muli %mul3A_218, %add3A_206 : i32
      %add3A_220 = arith.constant 1 : i32
      %add3A_221 = arith.addi %mul3A_219, %add3A_220 : i32
      %dma_wait3A_222 = arith.constant 100 : i32
      %dma_wait3A_223 = arith.constant 0 : i32
      %dma_wait3A_224 = tpu.memref_slice %arg10[%dma_wait3A_222, %dma_wait3A_223] : memref<200x64xf32, #tpu.memory_space<vmem>> -> memref<100x64xf32, #tpu.memory_space<vmem>>
      %dma_wait3A_225 = arith.constant 0 : i32
      %dma_wait3A_226 = tpu.memref_slice %arg6[%add3A_221, %dma_wait3A_225] : memref<256x100xi32, #tpu.memory_space<vmem>> -> memref<1x100xi32, #tpu.memory_space<vmem>>
      %dma_wait3A_227 = tpu.memref_squeeze %dma_wait3A_226 : memref<1x100xi32, #tpu.memory_space<vmem>> -> memref<100xi32, #tpu.memory_space<vmem>>
      %dma_wait3A_228 = arith.constant 0 : i32
      %dma_wait3A_229 = arith.constant 0 : i32
      %dma_wait3A_230 = tpu.memref_slice %arg3[%dma_wait3A_228, %dma_wait3A_229] : memref<1000000x64xf32, #tpu.memory_space<hbm>> -> memref<1000000x64xf32, #tpu.memory_space<hbm>>
      tpu.wait_indirect_dma semaphore(%arg16 : memref<!tpu.dma_semaphore, #tpu.memory_space<semaphore_mem>>) src(%dma_wait3A_230 : memref<1000000x64xf32, #tpu.memory_space<hbm>>) dst(%dma_wait3A_224 : memref<100x64xf32, #tpu.memory_space<vmem>>)
      %ge3A_231 = arith.constant 2 : i32
      %ge3A_232 = arith.cmpi sge, %add3A_206, %ge3A_231 : i32
      %convert_element_type3A_233 = arith.extui %ge3A_232 : i1 to i32
      %cond3A_234 = arith.constant 0 : i32
      %cond3A_235 = arith.cmpi ne, %convert_element_type3A_233, %cond3A_234 : i32
      scf.if %cond3A_235 {
        %dma_wait3A_309 = arith.constant 0 : i32
        %dma_wait3A_310 = arith.constant 0 : i32
        %dma_wait3A_311 = tpu.memref_slice %arg5[%dma_wait3A_309, %dma_wait3A_310] : memref<819200x64xf32, #tpu.memory_space<hbm>> -> memref<200x64xf32, #tpu.memory_space<hbm>>
        %dma_wait3A_312 = arith.constant 0 : i32
        %dma_wait3A_313 = arith.constant 0 : i32
        %dma_wait3A_314 = tpu.memref_slice %arg5[%dma_wait3A_312, %dma_wait3A_313] : memref<819200x64xf32, #tpu.memory_space<hbm>> -> memref<200x64xf32, #tpu.memory_space<hbm>>
        tpu.wait_dma2 semaphore(%arg18 : memref<!tpu.dma_semaphore, #tpu.memory_space<semaphore_mem>>) src(%arg12 : memref<200x64xf32, #tpu.memory_space<vmem>>) dst(%dma_wait3A_314 : memref<200x64xf32, #tpu.memory_space<hbm>>)
      } else {
      }
      %scan3A_236 = arith.constant 0 : i32
      %scan3A_237 = arith.constant 0 : i32
      %scan3A_238 = arith.constant 200 : i32
      %scan3A_239 = arith.addi %scan3A_237, %scan3A_238 : i32
      %scan3A_240 = arith.constant 4 : i32
      scf.for %scan3A_309 = %scan3A_237 to %scan3A_239 step %scan3A_240  : i32 {
        %get3A = arith.index_cast %scan3A_309 : i32 to index
        %get3A_310 = arith.constant 0 : index
        %get3A_311 = tpu.vector_load %arg10[%get3A, %get3A_310] {strides = array<i32>} : memref<200x64xf32, #tpu.memory_space<vmem>>, vector<1x16xf32>,
        %get3A_312 = vector.shape_cast %get3A_311 : vector<1x16xf32> to vector<16xf32>
        %get3A_313 = arith.index_cast %scan3A_309 : i32 to index
        %get3A_314 = arith.constant 0 : index
        %get3A_315 = tpu.vector_load %arg7[%get3A_313, %get3A_314] {strides = array<i32>} : memref<200x64xf32, #tpu.memory_space<vmem>>, vector<1x16xf32>,
        %get3A_316 = vector.shape_cast %get3A_315 : vector<1x16xf32> to vector<16xf32>
        %add3A_317 = arith.addf %get3A_312, %get3A_316 : vector<16xf32>
        %swap3A = arith.index_cast %scan3A_309 : i32 to index
        %swap3A_318 = arith.constant 0 : index
        %swap3A_319 = tpu.vector_load %arg12[%swap3A, %swap3A_318] {strides = array<i32>} : memref<200x64xf32, #tpu.memory_space<vmem>>, vector<1x16xf32>,
        %swap3A_320 = vector.shape_cast %swap3A_319 : vector<1x16xf32> to vector<16xf32>
        %swap3A_321 = vector.shape_cast %add3A_317 : vector<16xf32> to vector<1x16xf32>
        tpu.vector_store %arg12[%swap3A, %swap3A_318], %swap3A_321 {strides = array<i32>} : memref<200x64xf32, #tpu.memory_space<vmem>>, vector<1x16xf32>,
        %get3A_322 = arith.index_cast %scan3A_309 : i32 to index
        %get3A_323 = arith.constant 16 : index
        %get3A_324 = tpu.vector_load %arg10[%get3A_322, %get3A_323] {strides = array<i32>} : memref<200x64xf32, #tpu.memory_space<vmem>>, vector<1x16xf32>,
        %get3A_325 = vector.shape_cast %get3A_324 : vector<1x16xf32> to vector<16xf32>
        %get3A_326 = arith.index_cast %scan3A_309 : i32 to index
        %get3A_327 = arith.constant 16 : index
        %get3A_328 = tpu.vector_load %arg7[%get3A_326, %get3A_327] {strides = array<i32>} : memref<200x64xf32, #tpu.memory_space<vmem>>, vector<1x16xf32>,
        %get3A_329 = vector.shape_cast %get3A_328 : vector<1x16xf32> to vector<16xf32>
        %add3A_330 = arith.addf %get3A_325, %get3A_329 : vector<16xf32>
        %swap3A_331 = arith.index_cast %scan3A_309 : i32 to index
        %swap3A_332 = arith.constant 16 : index
        %swap3A_333 = tpu.vector_load %arg12[%swap3A_331, %swap3A_332] {strides = array<i32>} : memref<200x64xf32, #tpu.memory_space<vmem>>, vector<1x16xf32>,
        %swap3A_334 = vector.shape_cast %swap3A_333 : vector<1x16xf32> to vector<16xf32>
        %swap3A_335 = vector.shape_cast %add3A_330 : vector<16xf32> to vector<1x16xf32>
        tpu.vector_store %arg12[%swap3A_331, %swap3A_332], %swap3A_335 {strides = array<i32>} : memref<200x64xf32, #tpu.memory_space<vmem>>, vector<1x16xf32>,
        %get3A_336 = arith.index_cast %scan3A_309 : i32 to index
        %get3A_337 = arith.constant 32 : index
        %get3A_338 = tpu.vector_load %arg10[%get3A_336, %get3A_337] {strides = array<i32>} : memref<200x64xf32, #tpu.memory_space<vmem>>, vector<1x16xf32>,
        %get3A_339 = vector.shape_cast %get3A_338 : vector<1x16xf32> to vector<16xf32>
        %get3A_340 = arith.index_cast %scan3A_309 : i32 to index
        %get3A_341 = arith.constant 32 : index
        %get3A_342 = tpu.vector_load %arg7[%get3A_340, %get3A_341] {strides = array<i32>} : memref<200x64xf32, #tpu.memory_space<vmem>>, vector<1x16xf32>,
        %get3A_343 = vector.shape_cast %get3A_342 : vector<1x16xf32> to vector<16xf32>
        %add3A_344 = arith.addf %get3A_339, %get3A_343 : vector<16xf32>
        %swap3A_345 = arith.index_cast %scan3A_309 : i32 to index
        %swap3A_346 = arith.constant 32 : index
        %swap3A_347 = tpu.vector_load %arg12[%swap3A_345, %swap3A_346] {strides = array<i32>} : memref<200x64xf32, #tpu.memory_space<vmem>>, vector<1x16xf32>,
        %swap3A_348 = vector.shape_cast %swap3A_347 : vector<1x16xf32> to vector<16xf32>
        %swap3A_349 = vector.shape_cast %add3A_344 : vector<16xf32> to vector<1x16xf32>
        tpu.vector_store %arg12[%swap3A_345, %swap3A_346], %swap3A_349 {strides = array<i32>} : memref<200x64xf32, #tpu.memory_space<vmem>>, vector<1x16xf32>,
        %get3A_350 = arith.index_cast %scan3A_309 : i32 to index
        %get3A_351 = arith.constant 48 : index
        %get3A_352 = tpu.vector_load %arg10[%get3A_350, %get3A_351] {strides = array<i32>} : memref<200x64xf32, #tpu.memory_space<vmem>>, vector<1x16xf32>,
        %get3A_353 = vector.shape_cast %get3A_352 : vector<1x16xf32> to vector<16xf32>
        %get3A_354 = arith.index_cast %scan3A_309 : i32 to index
        %get3A_355 = arith.constant 48 : index
        %get3A_356 = tpu.vector_load %arg7[%get3A_354, %get3A_355] {strides = array<i32>} : memref<200x64xf32, #tpu.memory_space<vmem>>, vector<1x16xf32>,
        %get3A_357 = vector.shape_cast %get3A_356 : vector<1x16xf32> to vector<16xf32>
        %add3A_358 = arith.addf %get3A_353, %get3A_357 : vector<16xf32>
        %swap3A_359 = arith.index_cast %scan3A_309 : i32 to index
        %swap3A_360 = arith.constant 48 : index
        %swap3A_361 = tpu.vector_load %arg12[%swap3A_359, %swap3A_360] {strides = array<i32>} : memref<200x64xf32, #tpu.memory_space<vmem>>, vector<1x16xf32>,
        %swap3A_362 = vector.shape_cast %swap3A_361 : vector<1x16xf32> to vector<16xf32>
        %swap3A_363 = vector.shape_cast %add3A_358 : vector<16xf32> to vector<1x16xf32>
        tpu.vector_store %arg12[%swap3A_359, %swap3A_360], %swap3A_363 {strides = array<i32>} : memref<200x64xf32, #tpu.memory_space<vmem>>, vector<1x16xf32>,
        %scan3A_364 = arith.constant 1 : i32
        %scan3A_365 = arith.addi %scan3A_309, %scan3A_364 : i32
        %get3A_366 = arith.index_cast %scan3A_365 : i32 to index
        %get3A_367 = arith.constant 0 : index
        %get3A_368 = tpu.vector_load %arg10[%get3A_366, %get3A_367] {strides = array<i32>} : memref<200x64xf32, #tpu.memory_space<vmem>>, vector<1x16xf32>,
        %get3A_369 = vector.shape_cast %get3A_368 : vector<1x16xf32> to vector<16xf32>
        %get3A_370 = arith.index_cast %scan3A_365 : i32 to index
        %get3A_371 = arith.constant 0 : index
        %get3A_372 = tpu.vector_load %arg7[%get3A_370, %get3A_371] {strides = array<i32>} : memref<200x64xf32, #tpu.memory_space<vmem>>, vector<1x16xf32>,
        %get3A_373 = vector.shape_cast %get3A_372 : vector<1x16xf32> to vector<16xf32>
        %add3A_374 = arith.addf %get3A_369, %get3A_373 : vector<16xf32>
        %swap3A_375 = arith.index_cast %scan3A_365 : i32 to index
        %swap3A_376 = arith.constant 0 : index
        %swap3A_377 = tpu.vector_load %arg12[%swap3A_375, %swap3A_376] {strides = array<i32>} : memref<200x64xf32, #tpu.memory_space<vmem>>, vector<1x16xf32>,
        %swap3A_378 = vector.shape_cast %swap3A_377 : vector<1x16xf32> to vector<16xf32>
        %swap3A_379 = vector.shape_cast %add3A_374 : vector<16xf32> to vector<1x16xf32>
        tpu.vector_store %arg12[%swap3A_375, %swap3A_376], %swap3A_379 {strides = array<i32>} : memref<200x64xf32, #tpu.memory_space<vmem>>, vector<1x16xf32>,
        %get3A_380 = arith.index_cast %scan3A_365 : i32 to index
        %get3A_381 = arith.constant 16 : index
        %get3A_382 = tpu.vector_load %arg10[%get3A_380, %get3A_381] {strides = array<i32>} : memref<200x64xf32, #tpu.memory_space<vmem>>, vector<1x16xf32>,
        %get3A_383 = vector.shape_cast %get3A_382 : vector<1x16xf32> to vector<16xf32>
        %get3A_384 = arith.index_cast %scan3A_365 : i32 to index
        %get3A_385 = arith.constant 16 : index
        %get3A_386 = tpu.vector_load %arg7[%get3A_384, %get3A_385] {strides = array<i32>} : memref<200x64xf32, #tpu.memory_space<vmem>>, vector<1x16xf32>,
        %get3A_387 = vector.shape_cast %get3A_386 : vector<1x16xf32> to vector<16xf32>
        %add3A_388 = arith.addf %get3A_383, %get3A_387 : vector<16xf32>
        %swap3A_389 = arith.index_cast %scan3A_365 : i32 to index
        %swap3A_390 = arith.constant 16 : index
        %swap3A_391 = tpu.vector_load %arg12[%swap3A_389, %swap3A_390] {strides = array<i32>} : memref<200x64xf32, #tpu.memory_space<vmem>>, vector<1x16xf32>,
        %swap3A_392 = vector.shape_cast %swap3A_391 : vector<1x16xf32> to vector<16xf32>
        %swap3A_393 = vector.shape_cast %add3A_388 : vector<16xf32> to vector<1x16xf32>
        tpu.vector_store %arg12[%swap3A_389, %swap3A_390], %swap3A_393 {strides = array<i32>} : memref<200x64xf32, #tpu.memory_space<vmem>>, vector<1x16xf32>,
        %get3A_394 = arith.index_cast %scan3A_365 : i32 to index
        %get3A_395 = arith.constant 32 : index
        %get3A_396 = tpu.vector_load %arg10[%get3A_394, %get3A_395] {strides = array<i32>} : memref<200x64xf32, #tpu.memory_space<vmem>>, vector<1x16xf32>,
        %get3A_397 = vector.shape_cast %get3A_396 : vector<1x16xf32> to vector<16xf32>
        %get3A_398 = arith.index_cast %scan3A_365 : i32 to index
        %get3A_399 = arith.constant 32 : index
        %get3A_400 = tpu.vector_load %arg7[%get3A_398, %get3A_399] {strides = array<i32>} : memref<200x64xf32, #tpu.memory_space<vmem>>, vector<1x16xf32>,
        %get3A_401 = vector.shape_cast %get3A_400 : vector<1x16xf32> to vector<16xf32>
        %add3A_402 = arith.addf %get3A_397, %get3A_401 : vector<16xf32>
        %swap3A_403 = arith.index_cast %scan3A_365 : i32 to index
        %swap3A_404 = arith.constant 32 : index
        %swap3A_405 = tpu.vector_load %arg12[%swap3A_403, %swap3A_404] {strides = array<i32>} : memref<200x64xf32, #tpu.memory_space<vmem>>, vector<1x16xf32>,
        %swap3A_406 = vector.shape_cast %swap3A_405 : vector<1x16xf32> to vector<16xf32>
        %swap3A_407 = vector.shape_cast %add3A_402 : vector<16xf32> to vector<1x16xf32>
        tpu.vector_store %arg12[%swap3A_403, %swap3A_404], %swap3A_407 {strides = array<i32>} : memref<200x64xf32, #tpu.memory_space<vmem>>, vector<1x16xf32>,
        %get3A_408 = arith.index_cast %scan3A_365 : i32 to index
        %get3A_409 = arith.constant 48 : index
        %get3A_410 = tpu.vector_load %arg10[%get3A_408, %get3A_409] {strides = array<i32>} : memref<200x64xf32, #tpu.memory_space<vmem>>, vector<1x16xf32>,
        %get3A_411 = vector.shape_cast %get3A_410 : vector<1x16xf32> to vector<16xf32>
        %get3A_412 = arith.index_cast %scan3A_365 : i32 to index
        %get3A_413 = arith.constant 48 : index
        %get3A_414 = tpu.vector_load %arg7[%get3A_412, %get3A_413] {strides = array<i32>} : memref<200x64xf32, #tpu.memory_space<vmem>>, vector<1x16xf32>,
        %get3A_415 = vector.shape_cast %get3A_414 : vector<1x16xf32> to vector<16xf32>
        %add3A_416 = arith.addf %get3A_411, %get3A_415 : vector<16xf32>
        %swap3A_417 = arith.index_cast %scan3A_365 : i32 to index
        %swap3A_418 = arith.constant 48 : index
        %swap3A_419 = tpu.vector_load %arg12[%swap3A_417, %swap3A_418] {strides = array<i32>} : memref<200x64xf32, #tpu.memory_space<vmem>>, vector<1x16xf32>,
        %swap3A_420 = vector.shape_cast %swap3A_419 : vector<1x16xf32> to vector<16xf32>
        %swap3A_421 = vector.shape_cast %add3A_416 : vector<16xf32> to vector<1x16xf32>
        tpu.vector_store %arg12[%swap3A_417, %swap3A_418], %swap3A_421 {strides = array<i32>} : memref<200x64xf32, #tpu.memory_space<vmem>>, vector<1x16xf32>,
        %scan3A_422 = arith.constant 2 : i32
        %scan3A_423 = arith.addi %scan3A_309, %scan3A_422 : i32
        %get3A_424 = arith.index_cast %scan3A_423 : i32 to index
        %get3A_425 = arith.constant 0 : index
        %get3A_426 = tpu.vector_load %arg10[%get3A_424, %get3A_425] {strides = array<i32>} : memref<200x64xf32, #tpu.memory_space<vmem>>, vector<1x16xf32>,
        %get3A_427 = vector.shape_cast %get3A_426 : vector<1x16xf32> to vector<16xf32>
        %get3A_428 = arith.index_cast %scan3A_423 : i32 to index
        %get3A_429 = arith.constant 0 : index
        %get3A_430 = tpu.vector_load %arg7[%get3A_428, %get3A_429] {strides = array<i32>} : memref<200x64xf32, #tpu.memory_space<vmem>>, vector<1x16xf32>,
        %get3A_431 = vector.shape_cast %get3A_430 : vector<1x16xf32> to vector<16xf32>
        %add3A_432 = arith.addf %get3A_427, %get3A_431 : vector<16xf32>
        %swap3A_433 = arith.index_cast %scan3A_423 : i32 to index
        %swap3A_434 = arith.constant 0 : index
        %swap3A_435 = tpu.vector_load %arg12[%swap3A_433, %swap3A_434] {strides = array<i32>} : memref<200x64xf32, #tpu.memory_space<vmem>>, vector<1x16xf32>,
        %swap3A_436 = vector.shape_cast %swap3A_435 : vector<1x16xf32> to vector<16xf32>
        %swap3A_437 = vector.shape_cast %add3A_432 : vector<16xf32> to vector<1x16xf32>
        tpu.vector_store %arg12[%swap3A_433, %swap3A_434], %swap3A_437 {strides = array<i32>} : memref<200x64xf32, #tpu.memory_space<vmem>>, vector<1x16xf32>,
        %get3A_438 = arith.index_cast %scan3A_423 : i32 to index
        %get3A_439 = arith.constant 16 : index
        %get3A_440 = tpu.vector_load %arg10[%get3A_438, %get3A_439] {strides = array<i32>} : memref<200x64xf32, #tpu.memory_space<vmem>>, vector<1x16xf32>,
        %get3A_441 = vector.shape_cast %get3A_440 : vector<1x16xf32> to vector<16xf32>
        %get3A_442 = arith.index_cast %scan3A_423 : i32 to index
        %get3A_443 = arith.constant 16 : index
        %get3A_444 = tpu.vector_load %arg7[%get3A_442, %get3A_443] {strides = array<i32>} : memref<200x64xf32, #tpu.memory_space<vmem>>, vector<1x16xf32>,
        %get3A_445 = vector.shape_cast %get3A_444 : vector<1x16xf32> to vector<16xf32>
        %add3A_446 = arith.addf %get3A_441, %get3A_445 : vector<16xf32>
        %swap3A_447 = arith.index_cast %scan3A_423 : i32 to index
        %swap3A_448 = arith.constant 16 : index
        %swap3A_449 = tpu.vector_load %arg12[%swap3A_447, %swap3A_448] {strides = array<i32>} : memref<200x64xf32, #tpu.memory_space<vmem>>, vector<1x16xf32>,
        %swap3A_450 = vector.shape_cast %swap3A_449 : vector<1x16xf32> to vector<16xf32>
        %swap3A_451 = vector.shape_cast %add3A_446 : vector<16xf32> to vector<1x16xf32>
        tpu.vector_store %arg12[%swap3A_447, %swap3A_448], %swap3A_451 {strides = array<i32>} : memref<200x64xf32, #tpu.memory_space<vmem>>, vector<1x16xf32>,
        %get3A_452 = arith.index_cast %scan3A_423 : i32 to index
        %get3A_453 = arith.constant 32 : index
        %get3A_454 = tpu.vector_load %arg10[%get3A_452, %get3A_453] {strides = array<i32>} : memref<200x64xf32, #tpu.memory_space<vmem>>, vector<1x16xf32>,
        %get3A_455 = vector.shape_cast %get3A_454 : vector<1x16xf32> to vector<16xf32>
        %get3A_456 = arith.index_cast %scan3A_423 : i32 to index
        %get3A_457 = arith.constant 32 : index
        %get3A_458 = tpu.vector_load %arg7[%get3A_456, %get3A_457] {strides = array<i32>} : memref<200x64xf32, #tpu.memory_space<vmem>>, vector<1x16xf32>,
        %get3A_459 = vector.shape_cast %get3A_458 : vector<1x16xf32> to vector<16xf32>
        %add3A_460 = arith.addf %get3A_455, %get3A_459 : vector<16xf32>
        %swap3A_461 = arith.index_cast %scan3A_423 : i32 to index
        %swap3A_462 = arith.constant 32 : index
        %swap3A_463 = tpu.vector_load %arg12[%swap3A_461, %swap3A_462] {strides = array<i32>} : memref<200x64xf32, #tpu.memory_space<vmem>>, vector<1x16xf32>,
        %swap3A_464 = vector.shape_cast %swap3A_463 : vector<1x16xf32> to vector<16xf32>
        %swap3A_465 = vector.shape_cast %add3A_460 : vector<16xf32> to vector<1x16xf32>
        tpu.vector_store %arg12[%swap3A_461, %swap3A_462], %swap3A_465 {strides = array<i32>} : memref<200x64xf32, #tpu.memory_space<vmem>>, vector<1x16xf32>,
        %get3A_466 = arith.index_cast %scan3A_423 : i32 to index
        %get3A_467 = arith.constant 48 : index
        %get3A_468 = tpu.vector_load %arg10[%get3A_466, %get3A_467] {strides = array<i32>} : memref<200x64xf32, #tpu.memory_space<vmem>>, vector<1x16xf32>,
        %get3A_469 = vector.shape_cast %get3A_468 : vector<1x16xf32> to vector<16xf32>
        %get3A_470 = arith.index_cast %scan3A_423 : i32 to index
        %get3A_471 = arith.constant 48 : index
        %get3A_472 = tpu.vector_load %arg7[%get3A_470, %get3A_471] {strides = array<i32>} : memref<200x64xf32, #tpu.memory_space<vmem>>, vector<1x16xf32>,
        %get3A_473 = vector.shape_cast %get3A_472 : vector<1x16xf32> to vector<16xf32>
        %add3A_474 = arith.addf %get3A_469, %get3A_473 : vector<16xf32>
        %swap3A_475 = arith.index_cast %scan3A_423 : i32 to index
        %swap3A_476 = arith.constant 48 : index
        %swap3A_477 = tpu.vector_load %arg12[%swap3A_475, %swap3A_476] {strides = array<i32>} : memref<200x64xf32, #tpu.memory_space<vmem>>, vector<1x16xf32>,
        %swap3A_478 = vector.shape_cast %swap3A_477 : vector<1x16xf32> to vector<16xf32>
        %swap3A_479 = vector.shape_cast %add3A_474 : vector<16xf32> to vector<1x16xf32>
        tpu.vector_store %arg12[%swap3A_475, %swap3A_476], %swap3A_479 {strides = array<i32>} : memref<200x64xf32, #tpu.memory_space<vmem>>, vector<1x16xf32>,
        %scan3A_480 = arith.constant 3 : i32
        %scan3A_481 = arith.addi %scan3A_309, %scan3A_480 : i32
        %get3A_482 = arith.index_cast %scan3A_481 : i32 to index
        %get3A_483 = arith.constant 0 : index
        %get3A_484 = tpu.vector_load %arg10[%get3A_482, %get3A_483] {strides = array<i32>} : memref<200x64xf32, #tpu.memory_space<vmem>>, vector<1x16xf32>,
        %get3A_485 = vector.shape_cast %get3A_484 : vector<1x16xf32> to vector<16xf32>
        %get3A_486 = arith.index_cast %scan3A_481 : i32 to index
        %get3A_487 = arith.constant 0 : index
        %get3A_488 = tpu.vector_load %arg7[%get3A_486, %get3A_487] {strides = array<i32>} : memref<200x64xf32, #tpu.memory_space<vmem>>, vector<1x16xf32>,
        %get3A_489 = vector.shape_cast %get3A_488 : vector<1x16xf32> to vector<16xf32>
        %add3A_490 = arith.addf %get3A_485, %get3A_489 : vector<16xf32>
        %swap3A_491 = arith.index_cast %scan3A_481 : i32 to index
        %swap3A_492 = arith.constant 0 : index
        %swap3A_493 = tpu.vector_load %arg12[%swap3A_491, %swap3A_492] {strides = array<i32>} : memref<200x64xf32, #tpu.memory_space<vmem>>, vector<1x16xf32>,
        %swap3A_494 = vector.shape_cast %swap3A_493 : vector<1x16xf32> to vector<16xf32>
        %swap3A_495 = vector.shape_cast %add3A_490 : vector<16xf32> to vector<1x16xf32>
        tpu.vector_store %arg12[%swap3A_491, %swap3A_492], %swap3A_495 {strides = array<i32>} : memref<200x64xf32, #tpu.memory_space<vmem>>, vector<1x16xf32>,
        %get3A_496 = arith.index_cast %scan3A_481 : i32 to index
        %get3A_497 = arith.constant 16 : index
        %get3A_498 = tpu.vector_load %arg10[%get3A_496, %get3A_497] {strides = array<i32>} : memref<200x64xf32, #tpu.memory_space<vmem>>, vector<1x16xf32>,
        %get3A_499 = vector.shape_cast %get3A_498 : vector<1x16xf32> to vector<16xf32>
        %get3A_500 = arith.index_cast %scan3A_481 : i32 to index
        %get3A_501 = arith.constant 16 : index
        %get3A_502 = tpu.vector_load %arg7[%get3A_500, %get3A_501] {strides = array<i32>} : memref<200x64xf32, #tpu.memory_space<vmem>>, vector<1x16xf32>,
        %get3A_503 = vector.shape_cast %get3A_502 : vector<1x16xf32> to vector<16xf32>
        %add3A_504 = arith.addf %get3A_499, %get3A_503 : vector<16xf32>
        %swap3A_505 = arith.index_cast %scan3A_481 : i32 to index
        %swap3A_506 = arith.constant 16 : index
        %swap3A_507 = tpu.vector_load %arg12[%swap3A_505, %swap3A_506] {strides = array<i32>} : memref<200x64xf32, #tpu.memory_space<vmem>>, vector<1x16xf32>,
        %swap3A_508 = vector.shape_cast %swap3A_507 : vector<1x16xf32> to vector<16xf32>
        %swap3A_509 = vector.shape_cast %add3A_504 : vector<16xf32> to vector<1x16xf32>
        tpu.vector_store %arg12[%swap3A_505, %swap3A_506], %swap3A_509 {strides = array<i32>} : memref<200x64xf32, #tpu.memory_space<vmem>>, vector<1x16xf32>,
        %get3A_510 = arith.index_cast %scan3A_481 : i32 to index
        %get3A_511 = arith.constant 32 : index
        %get3A_512 = tpu.vector_load %arg10[%get3A_510, %get3A_511] {strides = array<i32>} : memref<200x64xf32, #tpu.memory_space<vmem>>, vector<1x16xf32>,
        %get3A_513 = vector.shape_cast %get3A_512 : vector<1x16xf32> to vector<16xf32>
        %get3A_514 = arith.index_cast %scan3A_481 : i32 to index
        %get3A_515 = arith.constant 32 : index
        %get3A_516 = tpu.vector_load %arg7[%get3A_514, %get3A_515] {strides = array<i32>} : memref<200x64xf32, #tpu.memory_space<vmem>>, vector<1x16xf32>,
        %get3A_517 = vector.shape_cast %get3A_516 : vector<1x16xf32> to vector<16xf32>
        %add3A_518 = arith.addf %get3A_513, %get3A_517 : vector<16xf32>
        %swap3A_519 = arith.index_cast %scan3A_481 : i32 to index
        %swap3A_520 = arith.constant 32 : index
        %swap3A_521 = tpu.vector_load %arg12[%swap3A_519, %swap3A_520] {strides = array<i32>} : memref<200x64xf32, #tpu.memory_space<vmem>>, vector<1x16xf32>,
        %swap3A_522 = vector.shape_cast %swap3A_521 : vector<1x16xf32> to vector<16xf32>
        %swap3A_523 = vector.shape_cast %add3A_518 : vector<16xf32> to vector<1x16xf32>
        tpu.vector_store %arg12[%swap3A_519, %swap3A_520], %swap3A_523 {strides = array<i32>} : memref<200x64xf32, #tpu.memory_space<vmem>>, vector<1x16xf32>,
        %get3A_524 = arith.index_cast %scan3A_481 : i32 to index
        %get3A_525 = arith.constant 48 : index
        %get3A_526 = tpu.vector_load %arg10[%get3A_524, %get3A_525] {strides = array<i32>} : memref<200x64xf32, #tpu.memory_space<vmem>>, vector<1x16xf32>,
        %get3A_527 = vector.shape_cast %get3A_526 : vector<1x16xf32> to vector<16xf32>
        %get3A_528 = arith.index_cast %scan3A_481 : i32 to index
        %get3A_529 = arith.constant 48 : index
        %get3A_530 = tpu.vector_load %arg7[%get3A_528, %get3A_529] {strides = array<i32>} : memref<200x64xf32, #tpu.memory_space<vmem>>, vector<1x16xf32>,
        %get3A_531 = vector.shape_cast %get3A_530 : vector<1x16xf32> to vector<16xf32>
        %add3A_532 = arith.addf %get3A_527, %get3A_531 : vector<16xf32>
        %swap3A_533 = arith.index_cast %scan3A_481 : i32 to index
        %swap3A_534 = arith.constant 48 : index
        %swap3A_535 = tpu.vector_load %arg12[%swap3A_533, %swap3A_534] {strides = array<i32>} : memref<200x64xf32, #tpu.memory_space<vmem>>, vector<1x16xf32>,
        %swap3A_536 = vector.shape_cast %swap3A_535 : vector<1x16xf32> to vector<16xf32>
        %swap3A_537 = vector.shape_cast %add3A_532 : vector<16xf32> to vector<1x16xf32>
        tpu.vector_store %arg12[%swap3A_533, %swap3A_534], %swap3A_537 {strides = array<i32>} : memref<200x64xf32, #tpu.memory_space<vmem>>, vector<1x16xf32>,
      }
      %scan3A_241 = arith.constant 200 : i32
      %add3A_242 = arith.addi %mul3A_2, %add3A_206 : i32
      %mul3A_243 = arith.constant 200 : i32
      %mul3A_244 = arith.muli %add3A_242, %mul3A_243 : i32
      %dma_start3A_245 = arith.constant 0 : i32
      %dma_start3A_246 = tpu.memref_slice %arg5[%mul3A_244, %dma_start3A_245] : memref<819200x64xf32, #tpu.memory_space<hbm>> -> memref<200x64xf32, #tpu.memory_space<hbm>>
      %dma_start3A_247 = arith.constant 0 : i32
      %dma_start3A_248 = tpu.memref_slice %arg5[%mul3A_244, %dma_start3A_247] : memref<819200x64xf32, #tpu.memory_space<hbm>> -> memref<200x64xf32, #tpu.memory_space<hbm>>
      tpu.enqueue_dma source(%arg12 : memref<200x64xf32, #tpu.memory_space<vmem>>) target(%dma_start3A_248 : memref<200x64xf32, #tpu.memory_space<hbm>>) target_semaphore(%arg18 : memref<!tpu.dma_semaphore, #tpu.memory_space<semaphore_mem>>)
      %add3A_249 = arith.constant 4 : i32
      %add3A_250 = arith.addi %add3A_206, %add3A_249 : i32
      %lt3A_251 = arith.constant 128 : i32
      %lt3A_252 = arith.cmpi slt, %add3A_250, %lt3A_251 : i32
      %convert_element_type3A_253 = arith.extui %lt3A_252 : i1 to i32
      %cond3A_254 = arith.constant 0 : i32
      %cond3A_255 = arith.cmpi ne, %convert_element_type3A_253, %cond3A_254 : i32
      scf.if %cond3A_255 {
        %add3A_309 = arith.constant 4 : i32
        %add3A_310 = arith.addi %add3A_206, %add3A_309 : i32
        %mul3A_311 = arith.constant 2 : i32
        %mul3A_312 = arith.muli %mul3A_311, %add3A_310 : i32
        %dma_start3A_313 = arith.constant 0 : i32
        %dma_start3A_314 = arith.constant 0 : i32
        %dma_start3A_315 = tpu.memref_slice %arg10[%dma_start3A_313, %dma_start3A_314] : memref<200x64xf32, #tpu.memory_space<vmem>> -> memref<100x64xf32, #tpu.memory_space<vmem>>
        %dma_start3A_316 = arith.constant 0 : i32
        %dma_start3A_317 = tpu.memref_slice %arg6[%mul3A_312, %dma_start3A_316] : memref<256x100xi32, #tpu.memory_space<vmem>> -> memref<1x100xi32, #tpu.memory_space<vmem>>
        %dma_start3A_318 = tpu.memref_squeeze %dma_start3A_317 : memref<1x100xi32, #tpu.memory_space<vmem>> -> memref<100xi32, #tpu.memory_space<vmem>>
        %dma_start3A_319 = arith.constant 0 : i32
        %dma_start3A_320 = arith.constant 0 : i32
        %dma_start3A_321 = tpu.memref_slice %arg3[%dma_start3A_319, %dma_start3A_320] : memref<1000000x64xf32, #tpu.memory_space<hbm>> -> memref<1000000x64xf32, #tpu.memory_space<hbm>>
        tpu.enqueue_indirect_dma source(%dma_start3A_321 : memref<1000000x64xf32, #tpu.memory_space<hbm>>) target(%dma_start3A_315 : memref<100x64xf32, #tpu.memory_space<vmem>>) offsets(%dma_start3A_318 : memref<100xi32, #tpu.memory_space<vmem>>) semaphore(%arg16 : memref<!tpu.dma_semaphore, #tpu.memory_space<semaphore_mem>>)
        %mul3A_322 = arith.constant 2 : i32
        %mul3A_323 = arith.muli %mul3A_322, %add3A_310 : i32
        %add3A_324 = arith.constant 1 : i32
        %add3A_325 = arith.addi %mul3A_323, %add3A_324 : i32
        %dma_start3A_326 = arith.constant 100 : i32
        %dma_start3A_327 = arith.constant 0 : i32
        %dma_start3A_328 = tpu.memref_slice %arg10[%dma_start3A_326, %dma_start3A_327] : memref<200x64xf32, #tpu.memory_space<vmem>> -> memref<100x64xf32, #tpu.memory_space<vmem>>
        %dma_start3A_329 = arith.constant 0 : i32
        %dma_start3A_330 = tpu.memref_slice %arg6[%add3A_325, %dma_start3A_329] : memref<256x100xi32, #tpu.memory_space<vmem>> -> memref<1x100xi32, #tpu.memory_space<vmem>>
        %dma_start3A_331 = tpu.memref_squeeze %dma_start3A_330 : memref<1x100xi32, #tpu.memory_space<vmem>> -> memref<100xi32, #tpu.memory_space<vmem>>
        %dma_start3A_332 = arith.constant 0 : i32
        %dma_start3A_333 = arith.constant 0 : i32
        %dma_start3A_334 = tpu.memref_slice %arg3[%dma_start3A_332, %dma_start3A_333] : memref<1000000x64xf32, #tpu.memory_space<hbm>> -> memref<1000000x64xf32, #tpu.memory_space<hbm>>
        tpu.enqueue_indirect_dma source(%dma_start3A_334 : memref<1000000x64xf32, #tpu.memory_space<hbm>>) target(%dma_start3A_328 : memref<100x64xf32, #tpu.memory_space<vmem>>) offsets(%dma_start3A_331 : memref<100xi32, #tpu.memory_space<vmem>>) semaphore(%arg16 : memref<!tpu.dma_semaphore, #tpu.memory_space<semaphore_mem>>)
      } else {
      }
      %mul3A_256 = arith.constant 4 : i32
      %mul3A_257 = arith.muli %mul3A_256, %scan3A_100 : i32
      %add3A_258 = arith.constant 3 : i32
      %add3A_259 = arith.addi %mul3A_257, %add3A_258 : i32
      %mul3A_260 = arith.constant 2 : i32
      %mul3A_261 = arith.muli %mul3A_260, %add3A_259 : i32
      %dma_wait3A_262 = arith.constant 0 : i32
      %dma_wait3A_263 = arith.constant 0 : i32
      %dma_wait3A_264 = tpu.memref_slice %arg11[%dma_wait3A_262, %dma_wait3A_263] : memref<200x64xf32, #tpu.memory_space<vmem>> -> memref<100x64xf32, #tpu.memory_space<vmem>>
      %dma_wait3A_265 = arith.constant 0 : i32
      %dma_wait3A_266 = tpu.memref_slice %arg6[%mul3A_261, %dma_wait3A_265] : memref<256x100xi32, #tpu.memory_space<vmem>> -> memref<1x100xi32, #tpu.memory_space<vmem>>
      %dma_wait3A_267 = tpu.memref_squeeze %dma_wait3A_266 : memref<1x100xi32, #tpu.memory_space<vmem>> -> memref<100xi32, #tpu.memory_space<vmem>>
      %dma_wait3A_268 = arith.constant 0 : i32
      %dma_wait3A_269 = arith.constant 0 : i32
      %dma_wait3A_270 = tpu.memref_slice %arg3[%dma_wait3A_268, %dma_wait3A_269] : memref<1000000x64xf32, #tpu.memory_space<hbm>> -> memref<1000000x64xf32, #tpu.memory_space<hbm>>
      tpu.wait_indirect_dma semaphore(%arg17 : memref<!tpu.dma_semaphore, #tpu.memory_space<semaphore_mem>>) src(%dma_wait3A_270 : memref<1000000x64xf32, #tpu.memory_space<hbm>>) dst(%dma_wait3A_264 : memref<100x64xf32, #tpu.memory_space<vmem>>)
      %mul3A_271 = arith.constant 2 : i32
      %mul3A_272 = arith.muli %mul3A_271, %add3A_259 : i32
      %add3A_273 = arith.constant 1 : i32
      %add3A_274 = arith.addi %mul3A_272, %add3A_273 : i32
      %dma_wait3A_275 = arith.constant 100 : i32
      %dma_wait3A_276 = arith.constant 0 : i32
      %dma_wait3A_277 = tpu.memref_slice %arg11[%dma_wait3A_275, %dma_wait3A_276] : memref<200x64xf32, #tpu.memory_space<vmem>> -> memref<100x64xf32, #tpu.memory_space<vmem>>
      %dma_wait3A_278 = arith.constant 0 : i32
      %dma_wait3A_279 = tpu.memref_slice %arg6[%add3A_274, %dma_wait3A_278] : memref<256x100xi32, #tpu.memory_space<vmem>> -> memref<1x100xi32, #tpu.memory_space<vmem>>
      %dma_wait3A_280 = tpu.memref_squeeze %dma_wait3A_279 : memref<1x100xi32, #tpu.memory_space<vmem>> -> memref<100xi32, #tpu.memory_space<vmem>>
      %dma_wait3A_281 = arith.constant 0 : i32
      %dma_wait3A_282 = arith.constant 0 : i32
      %dma_wait3A_283 = tpu.memref_slice %arg3[%dma_wait3A_281, %dma_wait3A_282] : memref<1000000x64xf32, #tpu.memory_space<hbm>> -> memref<1000000x64xf32, #tpu.memory_space<hbm>>
      tpu.wait_indirect_dma semaphore(%arg17 : memref<!tpu.dma_semaphore, #tpu.memory_space<semaphore_mem>>) src(%dma_wait3A_283 : memref<1000000x64xf32, #tpu.memory_space<hbm>>) dst(%dma_wait3A_277 : memref<100x64xf32, #tpu.memory_space<vmem>>)
      %ge3A_284 = arith.constant 2 : i32
      %ge3A_285 = arith.cmpi sge, %add3A_259, %ge3A_284 : i32
      %convert_element_type3A_286 = arith.extui %ge3A_285 : i1 to i32
      %cond3A_287 = arith.constant 0 : i32
      %cond3A_288 = arith.cmpi ne, %convert_element_type3A_286, %cond3A_287 : i32
      scf.if %cond3A_288 {
        %dma_wait3A_309 = arith.constant 0 : i32
        %dma_wait3A_310 = arith.constant 0 : i32
        %dma_wait3A_311 = tpu.memref_slice %arg5[%dma_wait3A_309, %dma_wait3A_310] : memref<819200x64xf32, #tpu.memory_space<hbm>> -> memref<200x64xf32, #tpu.memory_space<hbm>>
        %dma_wait3A_312 = arith.constant 0 : i32
        %dma_wait3A_313 = arith.constant 0 : i32
        %dma_wait3A_314 = tpu.memref_slice %arg5[%dma_wait3A_312, %dma_wait3A_313] : memref<819200x64xf32, #tpu.memory_space<hbm>> -> memref<200x64xf32, #tpu.memory_space<hbm>>
        tpu.wait_dma2 semaphore(%arg19 : memref<!tpu.dma_semaphore, #tpu.memory_space<semaphore_mem>>) src(%arg13 : memref<200x64xf32, #tpu.memory_space<vmem>>) dst(%dma_wait3A_314 : memref<200x64xf32, #tpu.memory_space<hbm>>)
      } else {
      }
      %scan3A_289 = arith.constant 0 : i32
      %scan3A_290 = arith.constant 0 : i32
      %scan3A_291 = arith.constant 200 : i32
      %scan3A_292 = arith.addi %scan3A_290, %scan3A_291 : i32
      %scan3A_293 = arith.constant 4 : i32
      scf.for %scan3A_309 = %scan3A_290 to %scan3A_292 step %scan3A_293  : i32 {
        %get3A = arith.index_cast %scan3A_309 : i32 to index
        %get3A_310 = arith.constant 0 : index
        %get3A_311 = tpu.vector_load %arg11[%get3A, %get3A_310] {strides = array<i32>} : memref<200x64xf32, #tpu.memory_space<vmem>>, vector<1x16xf32>,
        %get3A_312 = vector.shape_cast %get3A_311 : vector<1x16xf32> to vector<16xf32>
        %get3A_313 = arith.index_cast %scan3A_309 : i32 to index
        %get3A_314 = arith.constant 0 : index
        %get3A_315 = tpu.vector_load %arg7[%get3A_313, %get3A_314] {strides = array<i32>} : memref<200x64xf32, #tpu.memory_space<vmem>>, vector<1x16xf32>,
        %get3A_316 = vector.shape_cast %get3A_315 : vector<1x16xf32> to vector<16xf32>
        %add3A_317 = arith.addf %get3A_312, %get3A_316 : vector<16xf32>
        %swap3A = arith.index_cast %scan3A_309 : i32 to index
        %swap3A_318 = arith.constant 0 : index
        %swap3A_319 = tpu.vector_load %arg13[%swap3A, %swap3A_318] {strides = array<i32>} : memref<200x64xf32, #tpu.memory_space<vmem>>, vector<1x16xf32>,
        %swap3A_320 = vector.shape_cast %swap3A_319 : vector<1x16xf32> to vector<16xf32>
        %swap3A_321 = vector.shape_cast %add3A_317 : vector<16xf32> to vector<1x16xf32>
        tpu.vector_store %arg13[%swap3A, %swap3A_318], %swap3A_321 {strides = array<i32>} : memref<200x64xf32, #tpu.memory_space<vmem>>, vector<1x16xf32>,
        %get3A_322 = arith.index_cast %scan3A_309 : i32 to index
        %get3A_323 = arith.constant 16 : index
        %get3A_324 = tpu.vector_load %arg11[%get3A_322, %get3A_323] {strides = array<i32>} : memref<200x64xf32, #tpu.memory_space<vmem>>, vector<1x16xf32>,
        %get3A_325 = vector.shape_cast %get3A_324 : vector<1x16xf32> to vector<16xf32>
        %get3A_326 = arith.index_cast %scan3A_309 : i32 to index
        %get3A_327 = arith.constant 16 : index
        %get3A_328 = tpu.vector_load %arg7[%get3A_326, %get3A_327] {strides = array<i32>} : memref<200x64xf32, #tpu.memory_space<vmem>>, vector<1x16xf32>,
        %get3A_329 = vector.shape_cast %get3A_328 : vector<1x16xf32> to vector<16xf32>
        %add3A_330 = arith.addf %get3A_325, %get3A_329 : vector<16xf32>
        %swap3A_331 = arith.index_cast %scan3A_309 : i32 to index
        %swap3A_332 = arith.constant 16 : index
        %swap3A_333 = tpu.vector_load %arg13[%swap3A_331, %swap3A_332] {strides = array<i32>} : memref<200x64xf32, #tpu.memory_space<vmem>>, vector<1x16xf32>,
        %swap3A_334 = vector.shape_cast %swap3A_333 : vector<1x16xf32> to vector<16xf32>
        %swap3A_335 = vector.shape_cast %add3A_330 : vector<16xf32> to vector<1x16xf32>
        tpu.vector_store %arg13[%swap3A_331, %swap3A_332], %swap3A_335 {strides = array<i32>} : memref<200x64xf32, #tpu.memory_space<vmem>>, vector<1x16xf32>,
        %get3A_336 = arith.index_cast %scan3A_309 : i32 to index
        %get3A_337 = arith.constant 32 : index
        %get3A_338 = tpu.vector_load %arg11[%get3A_336, %get3A_337] {strides = array<i32>} : memref<200x64xf32, #tpu.memory_space<vmem>>, vector<1x16xf32>,
        %get3A_339 = vector.shape_cast %get3A_338 : vector<1x16xf32> to vector<16xf32>
        %get3A_340 = arith.index_cast %scan3A_309 : i32 to index
        %get3A_341 = arith.constant 32 : index
        %get3A_342 = tpu.vector_load %arg7[%get3A_340, %get3A_341] {strides = array<i32>} : memref<200x64xf32, #tpu.memory_space<vmem>>, vector<1x16xf32>,
        %get3A_343 = vector.shape_cast %get3A_342 : vector<1x16xf32> to vector<16xf32>
        %add3A_344 = arith.addf %get3A_339, %get3A_343 : vector<16xf32>
        %swap3A_345 = arith.index_cast %scan3A_309 : i32 to index
        %swap3A_346 = arith.constant 32 : index
        %swap3A_347 = tpu.vector_load %arg13[%swap3A_345, %swap3A_346] {strides = array<i32>} : memref<200x64xf32, #tpu.memory_space<vmem>>, vector<1x16xf32>,
        %swap3A_348 = vector.shape_cast %swap3A_347 : vector<1x16xf32> to vector<16xf32>
        %swap3A_349 = vector.shape_cast %add3A_344 : vector<16xf32> to vector<1x16xf32>
        tpu.vector_store %arg13[%swap3A_345, %swap3A_346], %swap3A_349 {strides = array<i32>} : memref<200x64xf32, #tpu.memory_space<vmem>>, vector<1x16xf32>,
        %get3A_350 = arith.index_cast %scan3A_309 : i32 to index
        %get3A_351 = arith.constant 48 : index
        %get3A_352 = tpu.vector_load %arg11[%get3A_350, %get3A_351] {strides = array<i32>} : memref<200x64xf32, #tpu.memory_space<vmem>>, vector<1x16xf32>,
        %get3A_353 = vector.shape_cast %get3A_352 : vector<1x16xf32> to vector<16xf32>
        %get3A_354 = arith.index_cast %scan3A_309 : i32 to index
        %get3A_355 = arith.constant 48 : index
        %get3A_356 = tpu.vector_load %arg7[%get3A_354, %get3A_355] {strides = array<i32>} : memref<200x64xf32, #tpu.memory_space<vmem>>, vector<1x16xf32>,
        %get3A_357 = vector.shape_cast %get3A_356 : vector<1x16xf32> to vector<16xf32>
        %add3A_358 = arith.addf %get3A_353, %get3A_357 : vector<16xf32>
        %swap3A_359 = arith.index_cast %scan3A_309 : i32 to index
        %swap3A_360 = arith.constant 48 : index
        %swap3A_361 = tpu.vector_load %arg13[%swap3A_359, %swap3A_360] {strides = array<i32>} : memref<200x64xf32, #tpu.memory_space<vmem>>, vector<1x16xf32>,
        %swap3A_362 = vector.shape_cast %swap3A_361 : vector<1x16xf32> to vector<16xf32>
        %swap3A_363 = vector.shape_cast %add3A_358 : vector<16xf32> to vector<1x16xf32>
        tpu.vector_store %arg13[%swap3A_359, %swap3A_360], %swap3A_363 {strides = array<i32>} : memref<200x64xf32, #tpu.memory_space<vmem>>, vector<1x16xf32>,
        %scan3A_364 = arith.constant 1 : i32
        %scan3A_365 = arith.addi %scan3A_309, %scan3A_364 : i32
        %get3A_366 = arith.index_cast %scan3A_365 : i32 to index
        %get3A_367 = arith.constant 0 : index
        %get3A_368 = tpu.vector_load %arg11[%get3A_366, %get3A_367] {strides = array<i32>} : memref<200x64xf32, #tpu.memory_space<vmem>>, vector<1x16xf32>,
        %get3A_369 = vector.shape_cast %get3A_368 : vector<1x16xf32> to vector<16xf32>
        %get3A_370 = arith.index_cast %scan3A_365 : i32 to index
        %get3A_371 = arith.constant 0 : index
        %get3A_372 = tpu.vector_load %arg7[%get3A_370, %get3A_371] {strides = array<i32>} : memref<200x64xf32, #tpu.memory_space<vmem>>, vector<1x16xf32>,
        %get3A_373 = vector.shape_cast %get3A_372 : vector<1x16xf32> to vector<16xf32>
        %add3A_374 = arith.addf %get3A_369, %get3A_373 : vector<16xf32>
        %swap3A_375 = arith.index_cast %scan3A_365 : i32 to index
        %swap3A_376 = arith.constant 0 : index
        %swap3A_377 = tpu.vector_load %arg13[%swap3A_375, %swap3A_376] {strides = array<i32>} : memref<200x64xf32, #tpu.memory_space<vmem>>, vector<1x16xf32>,
        %swap3A_378 = vector.shape_cast %swap3A_377 : vector<1x16xf32> to vector<16xf32>
        %swap3A_379 = vector.shape_cast %add3A_374 : vector<16xf32> to vector<1x16xf32>
        tpu.vector_store %arg13[%swap3A_375, %swap3A_376], %swap3A_379 {strides = array<i32>} : memref<200x64xf32, #tpu.memory_space<vmem>>, vector<1x16xf32>,
        %get3A_380 = arith.index_cast %scan3A_365 : i32 to index
        %get3A_381 = arith.constant 16 : index
        %get3A_382 = tpu.vector_load %arg11[%get3A_380, %get3A_381] {strides = array<i32>} : memref<200x64xf32, #tpu.memory_space<vmem>>, vector<1x16xf32>,
        %get3A_383 = vector.shape_cast %get3A_382 : vector<1x16xf32> to vector<16xf32>
        %get3A_384 = arith.index_cast %scan3A_365 : i32 to index
        %get3A_385 = arith.constant 16 : index
        %get3A_386 = tpu.vector_load %arg7[%get3A_384, %get3A_385] {strides = array<i32>} : memref<200x64xf32, #tpu.memory_space<vmem>>, vector<1x16xf32>,
        %get3A_387 = vector.shape_cast %get3A_386 : vector<1x16xf32> to vector<16xf32>
        %add3A_388 = arith.addf %get3A_383, %get3A_387 : vector<16xf32>
        %swap3A_389 = arith.index_cast %scan3A_365 : i32 to index
        %swap3A_390 = arith.constant 16 : index
        %swap3A_391 = tpu.vector_load %arg13[%swap3A_389, %swap3A_390] {strides = array<i32>} : memref<200x64xf32, #tpu.memory_space<vmem>>, vector<1x16xf32>,
        %swap3A_392 = vector.shape_cast %swap3A_391 : vector<1x16xf32> to vector<16xf32>
        %swap3A_393 = vector.shape_cast %add3A_388 : vector<16xf32> to vector<1x16xf32>
        tpu.vector_store %arg13[%swap3A_389, %swap3A_390], %swap3A_393 {strides = array<i32>} : memref<200x64xf32, #tpu.memory_space<vmem>>, vector<1x16xf32>,
        %get3A_394 = arith.index_cast %scan3A_365 : i32 to index
        %get3A_395 = arith.constant 32 : index
        %get3A_396 = tpu.vector_load %arg11[%get3A_394, %get3A_395] {strides = array<i32>} : memref<200x64xf32, #tpu.memory_space<vmem>>, vector<1x16xf32>,
        %get3A_397 = vector.shape_cast %get3A_396 : vector<1x16xf32> to vector<16xf32>
        %get3A_398 = arith.index_cast %scan3A_365 : i32 to index
        %get3A_399 = arith.constant 32 : index
        %get3A_400 = tpu.vector_load %arg7[%get3A_398, %get3A_399] {strides = array<i32>} : memref<200x64xf32, #tpu.memory_space<vmem>>, vector<1x16xf32>,
        %get3A_401 = vector.shape_cast %get3A_400 : vector<1x16xf32> to vector<16xf32>
        %add3A_402 = arith.addf %get3A_397, %get3A_401 : vector<16xf32>
        %swap3A_403 = arith.index_cast %scan3A_365 : i32 to index
        %swap3A_404 = arith.constant 32 : index
        %swap3A_405 = tpu.vector_load %arg13[%swap3A_403, %swap3A_404] {strides = array<i32>} : memref<200x64xf32, #tpu.memory_space<vmem>>, vector<1x16xf32>,
        %swap3A_406 = vector.shape_cast %swap3A_405 : vector<1x16xf32> to vector<16xf32>
        %swap3A_407 = vector.shape_cast %add3A_402 : vector<16xf32> to vector<1x16xf32>
        tpu.vector_store %arg13[%swap3A_403, %swap3A_404], %swap3A_407 {strides = array<i32>} : memref<200x64xf32, #tpu.memory_space<vmem>>, vector<1x16xf32>,
        %get3A_408 = arith.index_cast %scan3A_365 : i32 to index
        %get3A_409 = arith.constant 48 : index
        %get3A_410 = tpu.vector_load %arg11[%get3A_408, %get3A_409] {strides = array<i32>} : memref<200x64xf32, #tpu.memory_space<vmem>>, vector<1x16xf32>,
        %get3A_411 = vector.shape_cast %get3A_410 : vector<1x16xf32> to vector<16xf32>
        %get3A_412 = arith.index_cast %scan3A_365 : i32 to index
        %get3A_413 = arith.constant 48 : index
        %get3A_414 = tpu.vector_load %arg7[%get3A_412, %get3A_413] {strides = array<i32>} : memref<200x64xf32, #tpu.memory_space<vmem>>, vector<1x16xf32>,
        %get3A_415 = vector.shape_cast %get3A_414 : vector<1x16xf32> to vector<16xf32>
        %add3A_416 = arith.addf %get3A_411, %get3A_415 : vector<16xf32>
        %swap3A_417 = arith.index_cast %scan3A_365 : i32 to index
        %swap3A_418 = arith.constant 48 : index
        %swap3A_419 = tpu.vector_load %arg13[%swap3A_417, %swap3A_418] {strides = array<i32>} : memref<200x64xf32, #tpu.memory_space<vmem>>, vector<1x16xf32>,
        %swap3A_420 = vector.shape_cast %swap3A_419 : vector<1x16xf32> to vector<16xf32>
        %swap3A_421 = vector.shape_cast %add3A_416 : vector<16xf32> to vector<1x16xf32>
        tpu.vector_store %arg13[%swap3A_417, %swap3A_418], %swap3A_421 {strides = array<i32>} : memref<200x64xf32, #tpu.memory_space<vmem>>, vector<1x16xf32>,
        %scan3A_422 = arith.constant 2 : i32
        %scan3A_423 = arith.addi %scan3A_309, %scan3A_422 : i32
        %get3A_424 = arith.index_cast %scan3A_423 : i32 to index
        %get3A_425 = arith.constant 0 : index
        %get3A_426 = tpu.vector_load %arg11[%get3A_424, %get3A_425] {strides = array<i32>} : memref<200x64xf32, #tpu.memory_space<vmem>>, vector<1x16xf32>,
        %get3A_427 = vector.shape_cast %get3A_426 : vector<1x16xf32> to vector<16xf32>
        %get3A_428 = arith.index_cast %scan3A_423 : i32 to index
        %get3A_429 = arith.constant 0 : index
        %get3A_430 = tpu.vector_load %arg7[%get3A_428, %get3A_429] {strides = array<i32>} : memref<200x64xf32, #tpu.memory_space<vmem>>, vector<1x16xf32>,
        %get3A_431 = vector.shape_cast %get3A_430 : vector<1x16xf32> to vector<16xf32>
        %add3A_432 = arith.addf %get3A_427, %get3A_431 : vector<16xf32>
        %swap3A_433 = arith.index_cast %scan3A_423 : i32 to index
        %swap3A_434 = arith.constant 0 : index
        %swap3A_435 = tpu.vector_load %arg13[%swap3A_433, %swap3A_434] {strides = array<i32>} : memref<200x64xf32, #tpu.memory_space<vmem>>, vector<1x16xf32>,
        %swap3A_436 = vector.shape_cast %swap3A_435 : vector<1x16xf32> to vector<16xf32>
        %swap3A_437 = vector.shape_cast %add3A_432 : vector<16xf32> to vector<1x16xf32>
        tpu.vector_store %arg13[%swap3A_433, %swap3A_434], %swap3A_437 {strides = array<i32>} : memref<200x64xf32, #tpu.memory_space<vmem>>, vector<1x16xf32>,
        %get3A_438 = arith.index_cast %scan3A_423 : i32 to index
        %get3A_439 = arith.constant 16 : index
        %get3A_440 = tpu.vector_load %arg11[%get3A_438, %get3A_439] {strides = array<i32>} : memref<200x64xf32, #tpu.memory_space<vmem>>, vector<1x16xf32>,
        %get3A_441 = vector.shape_cast %get3A_440 : vector<1x16xf32> to vector<16xf32>
        %get3A_442 = arith.index_cast %scan3A_423 : i32 to index
        %get3A_443 = arith.constant 16 : index
        %get3A_444 = tpu.vector_load %arg7[%get3A_442, %get3A_443] {strides = array<i32>} : memref<200x64xf32, #tpu.memory_space<vmem>>, vector<1x16xf32>,
        %get3A_445 = vector.shape_cast %get3A_444 : vector<1x16xf32> to vector<16xf32>
        %add3A_446 = arith.addf %get3A_441, %get3A_445 : vector<16xf32>
        %swap3A_447 = arith.index_cast %scan3A_423 : i32 to index
        %swap3A_448 = arith.constant 16 : index
        %swap3A_449 = tpu.vector_load %arg13[%swap3A_447, %swap3A_448] {strides = array<i32>} : memref<200x64xf32, #tpu.memory_space<vmem>>, vector<1x16xf32>,
        %swap3A_450 = vector.shape_cast %swap3A_449 : vector<1x16xf32> to vector<16xf32>
        %swap3A_451 = vector.shape_cast %add3A_446 : vector<16xf32> to vector<1x16xf32>
        tpu.vector_store %arg13[%swap3A_447, %swap3A_448], %swap3A_451 {strides = array<i32>} : memref<200x64xf32, #tpu.memory_space<vmem>>, vector<1x16xf32>,
        %get3A_452 = arith.index_cast %scan3A_423 : i32 to index
        %get3A_453 = arith.constant 32 : index
        %get3A_454 = tpu.vector_load %arg11[%get3A_452, %get3A_453] {strides = array<i32>} : memref<200x64xf32, #tpu.memory_space<vmem>>, vector<1x16xf32>,
        %get3A_455 = vector.shape_cast %get3A_454 : vector<1x16xf32> to vector<16xf32>
        %get3A_456 = arith.index_cast %scan3A_423 : i32 to index
        %get3A_457 = arith.constant 32 : index
        %get3A_458 = tpu.vector_load %arg7[%get3A_456, %get3A_457] {strides = array<i32>} : memref<200x64xf32, #tpu.memory_space<vmem>>, vector<1x16xf32>,
        %get3A_459 = vector.shape_cast %get3A_458 : vector<1x16xf32> to vector<16xf32>
        %add3A_460 = arith.addf %get3A_455, %get3A_459 : vector<16xf32>
        %swap3A_461 = arith.index_cast %scan3A_423 : i32 to index
        %swap3A_462 = arith.constant 32 : index
        %swap3A_463 = tpu.vector_load %arg13[%swap3A_461, %swap3A_462] {strides = array<i32>} : memref<200x64xf32, #tpu.memory_space<vmem>>, vector<1x16xf32>,
        %swap3A_464 = vector.shape_cast %swap3A_463 : vector<1x16xf32> to vector<16xf32>
        %swap3A_465 = vector.shape_cast %add3A_460 : vector<16xf32> to vector<1x16xf32>
        tpu.vector_store %arg13[%swap3A_461, %swap3A_462], %swap3A_465 {strides = array<i32>} : memref<200x64xf32, #tpu.memory_space<vmem>>, vector<1x16xf32>,
        %get3A_466 = arith.index_cast %scan3A_423 : i32 to index
        %get3A_467 = arith.constant 48 : index
        %get3A_468 = tpu.vector_load %arg11[%get3A_466, %get3A_467] {strides = array<i32>} : memref<200x64xf32, #tpu.memory_space<vmem>>, vector<1x16xf32>,
        %get3A_469 = vector.shape_cast %get3A_468 : vector<1x16xf32> to vector<16xf32>
        %get3A_470 = arith.index_cast %scan3A_423 : i32 to index
        %get3A_471 = arith.constant 48 : index
        %get3A_472 = tpu.vector_load %arg7[%get3A_470, %get3A_471] {strides = array<i32>} : memref<200x64xf32, #tpu.memory_space<vmem>>, vector<1x16xf32>,
        %get3A_473 = vector.shape_cast %get3A_472 : vector<1x16xf32> to vector<16xf32>
        %add3A_474 = arith.addf %get3A_469, %get3A_473 : vector<16xf32>
        %swap3A_475 = arith.index_cast %scan3A_423 : i32 to index
        %swap3A_476 = arith.constant 48 : index
        %swap3A_477 = tpu.vector_load %arg13[%swap3A_475, %swap3A_476] {strides = array<i32>} : memref<200x64xf32, #tpu.memory_space<vmem>>, vector<1x16xf32>,
        %swap3A_478 = vector.shape_cast %swap3A_477 : vector<1x16xf32> to vector<16xf32>
        %swap3A_479 = vector.shape_cast %add3A_474 : vector<16xf32> to vector<1x16xf32>
        tpu.vector_store %arg13[%swap3A_475, %swap3A_476], %swap3A_479 {strides = array<i32>} : memref<200x64xf32, #tpu.memory_space<vmem>>, vector<1x16xf32>,
        %scan3A_480 = arith.constant 3 : i32
        %scan3A_481 = arith.addi %scan3A_309, %scan3A_480 : i32
        %get3A_482 = arith.index_cast %scan3A_481 : i32 to index
        %get3A_483 = arith.constant 0 : index
        %get3A_484 = tpu.vector_load %arg11[%get3A_482, %get3A_483] {strides = array<i32>} : memref<200x64xf32, #tpu.memory_space<vmem>>, vector<1x16xf32>,
        %get3A_485 = vector.shape_cast %get3A_484 : vector<1x16xf32> to vector<16xf32>
        %get3A_486 = arith.index_cast %scan3A_481 : i32 to index
        %get3A_487 = arith.constant 0 : index
        %get3A_488 = tpu.vector_load %arg7[%get3A_486, %get3A_487] {strides = array<i32>} : memref<200x64xf32, #tpu.memory_space<vmem>>, vector<1x16xf32>,
        %get3A_489 = vector.shape_cast %get3A_488 : vector<1x16xf32> to vector<16xf32>
        %add3A_490 = arith.addf %get3A_485, %get3A_489 : vector<16xf32>
        %swap3A_491 = arith.index_cast %scan3A_481 : i32 to index
        %swap3A_492 = arith.constant 0 : index
        %swap3A_493 = tpu.vector_load %arg13[%swap3A_491, %swap3A_492] {strides = array<i32>} : memref<200x64xf32, #tpu.memory_space<vmem>>, vector<1x16xf32>,
        %swap3A_494 = vector.shape_cast %swap3A_493 : vector<1x16xf32> to vector<16xf32>
        %swap3A_495 = vector.shape_cast %add3A_490 : vector<16xf32> to vector<1x16xf32>
        tpu.vector_store %arg13[%swap3A_491, %swap3A_492], %swap3A_495 {strides = array<i32>} : memref<200x64xf32, #tpu.memory_space<vmem>>, vector<1x16xf32>,
        %get3A_496 = arith.index_cast %scan3A_481 : i32 to index
        %get3A_497 = arith.constant 16 : index
        %get3A_498 = tpu.vector_load %arg11[%get3A_496, %get3A_497] {strides = array<i32>} : memref<200x64xf32, #tpu.memory_space<vmem>>, vector<1x16xf32>,
        %get3A_499 = vector.shape_cast %get3A_498 : vector<1x16xf32> to vector<16xf32>
        %get3A_500 = arith.index_cast %scan3A_481 : i32 to index
        %get3A_501 = arith.constant 16 : index
        %get3A_502 = tpu.vector_load %arg7[%get3A_500, %get3A_501] {strides = array<i32>} : memref<200x64xf32, #tpu.memory_space<vmem>>, vector<1x16xf32>,
        %get3A_503 = vector.shape_cast %get3A_502 : vector<1x16xf32> to vector<16xf32>
        %add3A_504 = arith.addf %get3A_499, %get3A_503 : vector<16xf32>
        %swap3A_505 = arith.index_cast %scan3A_481 : i32 to index
        %swap3A_506 = arith.constant 16 : index
        %swap3A_507 = tpu.vector_load %arg13[%swap3A_505, %swap3A_506] {strides = array<i32>} : memref<200x64xf32, #tpu.memory_space<vmem>>, vector<1x16xf32>,
        %swap3A_508 = vector.shape_cast %swap3A_507 : vector<1x16xf32> to vector<16xf32>
        %swap3A_509 = vector.shape_cast %add3A_504 : vector<16xf32> to vector<1x16xf32>
        tpu.vector_store %arg13[%swap3A_505, %swap3A_506], %swap3A_509 {strides = array<i32>} : memref<200x64xf32, #tpu.memory_space<vmem>>, vector<1x16xf32>,
        %get3A_510 = arith.index_cast %scan3A_481 : i32 to index
        %get3A_511 = arith.constant 32 : index
        %get3A_512 = tpu.vector_load %arg11[%get3A_510, %get3A_511] {strides = array<i32>} : memref<200x64xf32, #tpu.memory_space<vmem>>, vector<1x16xf32>,
        %get3A_513 = vector.shape_cast %get3A_512 : vector<1x16xf32> to vector<16xf32>
        %get3A_514 = arith.index_cast %scan3A_481 : i32 to index
        %get3A_515 = arith.constant 32 : index
        %get3A_516 = tpu.vector_load %arg7[%get3A_514, %get3A_515] {strides = array<i32>} : memref<200x64xf32, #tpu.memory_space<vmem>>, vector<1x16xf32>,
        %get3A_517 = vector.shape_cast %get3A_516 : vector<1x16xf32> to vector<16xf32>
        %add3A_518 = arith.addf %get3A_513, %get3A_517 : vector<16xf32>
        %swap3A_519 = arith.index_cast %scan3A_481 : i32 to index
        %swap3A_520 = arith.constant 32 : index
        %swap3A_521 = tpu.vector_load %arg13[%swap3A_519, %swap3A_520] {strides = array<i32>} : memref<200x64xf32, #tpu.memory_space<vmem>>, vector<1x16xf32>,
        %swap3A_522 = vector.shape_cast %swap3A_521 : vector<1x16xf32> to vector<16xf32>
        %swap3A_523 = vector.shape_cast %add3A_518 : vector<16xf32> to vector<1x16xf32>
        tpu.vector_store %arg13[%swap3A_519, %swap3A_520], %swap3A_523 {strides = array<i32>} : memref<200x64xf32, #tpu.memory_space<vmem>>, vector<1x16xf32>,
        %get3A_524 = arith.index_cast %scan3A_481 : i32 to index
        %get3A_525 = arith.constant 48 : index
        %get3A_526 = tpu.vector_load %arg11[%get3A_524, %get3A_525] {strides = array<i32>} : memref<200x64xf32, #tpu.memory_space<vmem>>, vector<1x16xf32>,
        %get3A_527 = vector.shape_cast %get3A_526 : vector<1x16xf32> to vector<16xf32>
        %get3A_528 = arith.index_cast %scan3A_481 : i32 to index
        %get3A_529 = arith.constant 48 : index
        %get3A_530 = tpu.vector_load %arg7[%get3A_528, %get3A_529] {strides = array<i32>} : memref<200x64xf32, #tpu.memory_space<vmem>>, vector<1x16xf32>,
        %get3A_531 = vector.shape_cast %get3A_530 : vector<1x16xf32> to vector<16xf32>
        %add3A_532 = arith.addf %get3A_527, %get3A_531 : vector<16xf32>
        %swap3A_533 = arith.index_cast %scan3A_481 : i32 to index
        %swap3A_534 = arith.constant 48 : index
        %swap3A_535 = tpu.vector_load %arg13[%swap3A_533, %swap3A_534] {strides = array<i32>} : memref<200x64xf32, #tpu.memory_space<vmem>>, vector<1x16xf32>,
        %swap3A_536 = vector.shape_cast %swap3A_535 : vector<1x16xf32> to vector<16xf32>
        %swap3A_537 = vector.shape_cast %add3A_532 : vector<16xf32> to vector<1x16xf32>
        tpu.vector_store %arg13[%swap3A_533, %swap3A_534], %swap3A_537 {strides = array<i32>} : memref<200x64xf32, #tpu.memory_space<vmem>>, vector<1x16xf32>,
      }
      %scan3A_294 = arith.constant 200 : i32
      %add3A_295 = arith.addi %mul3A_2, %add3A_259 : i32
      %mul3A_296 = arith.constant 200 : i32
      %mul3A_297 = arith.muli %add3A_295, %mul3A_296 : i32
      %dma_start3A_298 = arith.constant 0 : i32
      %dma_start3A_299 = tpu.memref_slice %arg5[%mul3A_297, %dma_start3A_298] : memref<819200x64xf32, #tpu.memory_space<hbm>> -> memref<200x64xf32, #tpu.memory_space<hbm>>
      %dma_start3A_300 = arith.constant 0 : i32
      %dma_start3A_301 = tpu.memref_slice %arg5[%mul3A_297, %dma_start3A_300] : memref<819200x64xf32, #tpu.memory_space<hbm>> -> memref<200x64xf32, #tpu.memory_space<hbm>>
      tpu.enqueue_dma source(%arg13 : memref<200x64xf32, #tpu.memory_space<vmem>>) target(%dma_start3A_301 : memref<200x64xf32, #tpu.memory_space<hbm>>) target_semaphore(%arg19 : memref<!tpu.dma_semaphore, #tpu.memory_space<semaphore_mem>>)
      %add3A_302 = arith.constant 4 : i32
      %add3A_303 = arith.addi %add3A_259, %add3A_302 : i32
      %lt3A_304 = arith.constant 128 : i32
      %lt3A_305 = arith.cmpi slt, %add3A_303, %lt3A_304 : i32
      %convert_element_type3A_306 = arith.extui %lt3A_305 : i1 to i32
      %cond3A_307 = arith.constant 0 : i32
      %cond3A_308 = arith.cmpi ne, %convert_element_type3A_306, %cond3A_307 : i32
      scf.if %cond3A_308 {
        %add3A_309 = arith.constant 4 : i32
        %add3A_310 = arith.addi %add3A_259, %add3A_309 : i32
        %mul3A_311 = arith.constant 2 : i32
        %mul3A_312 = arith.muli %mul3A_311, %add3A_310 : i32
        %dma_start3A_313 = arith.constant 0 : i32
        %dma_start3A_314 = arith.constant 0 : i32
        %dma_start3A_315 = tpu.memref_slice %arg11[%dma_start3A_313, %dma_start3A_314] : memref<200x64xf32, #tpu.memory_space<vmem>> -> memref<100x64xf32, #tpu.memory_space<vmem>>
        %dma_start3A_316 = arith.constant 0 : i32
        %dma_start3A_317 = tpu.memref_slice %arg6[%mul3A_312, %dma_start3A_316] : memref<256x100xi32, #tpu.memory_space<vmem>> -> memref<1x100xi32, #tpu.memory_space<vmem>>
        %dma_start3A_318 = tpu.memref_squeeze %dma_start3A_317 : memref<1x100xi32, #tpu.memory_space<vmem>> -> memref<100xi32, #tpu.memory_space<vmem>>
        %dma_start3A_319 = arith.constant 0 : i32
        %dma_start3A_320 = arith.constant 0 : i32
        %dma_start3A_321 = tpu.memref_slice %arg3[%dma_start3A_319, %dma_start3A_320] : memref<1000000x64xf32, #tpu.memory_space<hbm>> -> memref<1000000x64xf32, #tpu.memory_space<hbm>>
        tpu.enqueue_indirect_dma source(%dma_start3A_321 : memref<1000000x64xf32, #tpu.memory_space<hbm>>) target(%dma_start3A_315 : memref<100x64xf32, #tpu.memory_space<vmem>>) offsets(%dma_start3A_318 : memref<100xi32, #tpu.memory_space<vmem>>) semaphore(%arg17 : memref<!tpu.dma_semaphore, #tpu.memory_space<semaphore_mem>>)
        %mul3A_322 = arith.constant 2 : i32
        %mul3A_323 = arith.muli %mul3A_322, %add3A_310 : i32
        %add3A_324 = arith.constant 1 : i32
        %add3A_325 = arith.addi %mul3A_323, %add3A_324 : i32
        %dma_start3A_326 = arith.constant 100 : i32
        %dma_start3A_327 = arith.constant 0 : i32
        %dma_start3A_328 = tpu.memref_slice %arg11[%dma_start3A_326, %dma_start3A_327] : memref<200x64xf32, #tpu.memory_space<vmem>> -> memref<100x64xf32, #tpu.memory_space<vmem>>
        %dma_start3A_329 = arith.constant 0 : i32
        %dma_start3A_330 = tpu.memref_slice %arg6[%add3A_325, %dma_start3A_329] : memref<256x100xi32, #tpu.memory_space<vmem>> -> memref<1x100xi32, #tpu.memory_space<vmem>>
        %dma_start3A_331 = tpu.memref_squeeze %dma_start3A_330 : memref<1x100xi32, #tpu.memory_space<vmem>> -> memref<100xi32, #tpu.memory_space<vmem>>
        %dma_start3A_332 = arith.constant 0 : i32
        %dma_start3A_333 = arith.constant 0 : i32
        %dma_start3A_334 = tpu.memref_slice %arg3[%dma_start3A_332, %dma_start3A_333] : memref<1000000x64xf32, #tpu.memory_space<hbm>> -> memref<1000000x64xf32, #tpu.memory_space<hbm>>
        tpu.enqueue_indirect_dma source(%dma_start3A_334 : memref<1000000x64xf32, #tpu.memory_space<hbm>>) target(%dma_start3A_328 : memref<100x64xf32, #tpu.memory_space<vmem>>) offsets(%dma_start3A_331 : memref<100xi32, #tpu.memory_space<vmem>>) semaphore(%arg17 : memref<!tpu.dma_semaphore, #tpu.memory_space<semaphore_mem>>)
      } else {
      }
    }
    %scan3A_88 = arith.constant 32 : i32
    %dma_wait3A = arith.constant 0 : i32
    %dma_wait3A_89 = arith.constant 0 : i32
    %dma_wait3A_90 = tpu.memref_slice %arg5[%dma_wait3A, %dma_wait3A_89] : memref<819200x64xf32, #tpu.memory_space<hbm>> -> memref<200x64xf32, #tpu.memory_space<hbm>>
    %dma_wait3A_91 = arith.constant 0 : i32
    %dma_wait3A_92 = arith.constant 0 : i32
    %dma_wait3A_93 = tpu.memref_slice %arg5[%dma_wait3A_91, %dma_wait3A_92] : memref<819200x64xf32, #tpu.memory_space<hbm>> -> memref<200x64xf32, #tpu.memory_space<hbm>>
    tpu.wait_dma2 semaphore(%arg18 : memref<!tpu.dma_semaphore, #tpu.memory_space<semaphore_mem>>) src(%arg12 : memref<200x64xf32, #tpu.memory_space<vmem>>) dst(%dma_wait3A_93 : memref<200x64xf32, #tpu.memory_space<hbm>>)
    %dma_wait3A_94 = arith.constant 0 : i32
    %dma_wait3A_95 = arith.constant 0 : i32
    %dma_wait3A_96 = tpu.memref_slice %arg5[%dma_wait3A_94, %dma_wait3A_95] : memref<819200x64xf32, #tpu.memory_space<hbm>> -> memref<200x64xf32, #tpu.memory_space<hbm>>
    %dma_wait3A_97 = arith.constant 0 : i32
    %dma_wait3A_98 = arith.constant 0 : i32
    %dma_wait3A_99 = tpu.memref_slice %arg5[%dma_wait3A_97, %dma_wait3A_98] : memref<819200x64xf32, #tpu.memory_space<hbm>> -> memref<200x64xf32, #tpu.memory_space<hbm>>
    tpu.wait_dma2 semaphore(%arg19 : memref<!tpu.dma_semaphore, #tpu.memory_space<semaphore_mem>>) src(%arg13 : memref<200x64xf32, #tpu.memory_space<vmem>>) dst(%dma_wait3A_99 : memref<200x64xf32, #tpu.memory_space<hbm>>)
    return
  }
}

</mosaic_0001>

<sc_bundles>
// kernel: _embed.3.cloned.1.call-start
scs
__scs_entry_jumppad:
0x0: {  	(pc) =	sbr.rel $0x88, $3  }
0x1: {  	(tag) =	ssettag $0x0;
	lr =	simm.s32 $0x1  }
0x2: {  	[smem:$0x3F9E] =	sst lr;
	_ =	strace $0xD0000000  }
0x3: {  	_ = 	snop  }
0x4: {  	_ = 	snop  }
0x5: {  	_ = 	snop  }
0x6: {  	_ = 	snop  }
0x7: {  	_ = 	snop  }
__scs_overlays_trampoline_lowered:
0x8: {  	[smem:$0x3FAD] =	sst s0  }
0x9: {  	[smem:$0x3FAE] =	sst s1  }
0xa: {  	[smem:$0x3FAF] =	sst s2  }
0xb: {  	[smem:$0x3FB0] =	sst s3  }
0xc: {  	[smem:$0x3FB1] =	sst s4  }
0xd: {  	[smem:$0x3FB2] =	sst s5  }
0xe: {  	[smem:$0x3FB3] =	sst s6  }
0xf: {  	[smem:$0x3FB4] =	sst s7  }
0x10: {  	[smem:$0x3FB5] =	sst s8  }
0x11: {  	[smem:$0x3FB6] =	sst s9;
	s0 =	simm.s32 @!p0 $0x0  }
0x12: {  	s1 =	sld [smem:$0x3F9C];
	s0 =	simm.s32 @p0 $0x1  }
0x13: {  	[smem:$0x3FB7] =	sst s0;
	s0 =	simm.s32 @!p1 $0x0  }
0x14: {  	s2 =	sld [smem:$0x3F9B];
	s0 =	simm.s32 @p1 $0x1  }
0x15: {  	[smem:$0x3FB8] =	sst s0;
	s0 =	simm.s32 @!p2 $0x0  }
0x16: {  	s3 =	sld [smem:$0x3FDB];
	s0 =	simm.s32 @p2 $0x1  }
0x17: {  	s4 =	simm.s32 $0x1BF5;
	[smem:$0x3FBA] =	sst s0  }
0x18: {  	s0 =	sld [smem:$0x3F9D];
	_ =	swait.ge [sflag:s4], $0x0  }
0x19: {  	s7 =	sld [smem:$0x3F9E]  }
0x1a: {  	s8 =	sadd.s32 $0xFFFFE003, lr  }
0x1b: {  	s9 =	sadd.s32 $0xFFFFFEF7, lr;
	s5 =	simm.s32 $0xFFFFFFFF;
	p2 =	slt.u32 s8, $0xFFFFF086  }
0x1c: {  	p1 =	slt.u32 s9, $0xF7A;
	s5 =	simm.s32 @!p2 $0x0  }
0x1d: {  	s5 =	simm.s32 @p1 $0x1;
	p0 =	seq.s32 s7, s2  }
0x1e: {  	s7 =	smul.u32 @!p0 $0xF7A, s2;
	p2 =	seq.s32 @!p0 s5, $0x0  }
0x1f: {  	s9 =	smul.u32 $0xF7A, s1;
	s8 =	simm.s32 @!p0 $0x1BF5;
	p2 =	por !p2, p0  }
0x20: {  	[sflag:s8] =	ssyncset.s32 @!p0 $0xFFFFF086;
	s6 =	sadd.s32 @!p0 s3, s7;
	s7 =	simm.s32 @!p0 $0x108  }
0x21: {  	s3 =	sadd.s32 s3, s9;
	s6 =	sadd.s32 @!p0 $0x88, s6;
	s7 =	simm.s32 @p2 $0x1082  }
0x22: {  	[simem:s7], [sflag:s8] =	dma.local @!p0 [hbm:s6], $0xF7A  }
0x23: {  	s9 =	sor.u32 $0xD0000000, s2;
	s6 =	simm.s32 $0x108;
	_ =	swait.ge @!p0 [sflag:s8], $0x0  }
0x24: {  	s3 =	sadd.s32 $0x88, s3;
	s6 =	simm.s32 @!p1 $0x1082;
	[sflag:s4] =	ssyncset.s32 $0xFFFFF086  }
0x25: {  	[simem:s6], [sflag:s4] =	dma.local [hbm:s3], $0xF7A  }
0x26: {  	[smem:$0x3F9E] =	sst s1;
	(tag) =	ssettag s2;
	_ =	strace s9  }
0x27: {  	s1 =	sld [smem:$0x3FAE]  }
0x28: {  	s2 =	sld [smem:$0x3FAF]  }
0x29: {  	s4 =	sld [smem:$0x3FB1]  }
0x2a: {  	p0 =	seq.s32 s5, $0x0;
	s5 =	sld [smem:$0x3FB2]  }
0x2b: {  	s6 =	sld [smem:$0x3FB3]  }
0x2c: {  	s7 =	sld [smem:$0x3FB4]  }
0x2d: {  	s3 =	simm.s32 $0x108;
	s8 =	sld [smem:$0x3FB5]  }
0x2e: {  	s3 =	simm.s32 @!p0 $0x1082;
	s9 =	sld [smem:$0x3FB6]  }
0x2f: {  	lr =	sadd.s32 s0, s3;
	s0 =	sld [smem:$0x3FAD]  }
0x30: {  	s3 =	sld [smem:$0x3FB0]  }
0x31: {  	[smem:$0x3FB9] =	sst s10  }
0x32: {  	s10 =	sld [smem:$0x3FB7];
	_ =	sdelay $0x3  }
0x33: {  	p0 =	seq.s32 s10, $0x1;
	s10 =	sld [smem:$0x3FB9];
	_ =	sdelay $0x3  }
0x34: {  	[smem:$0x3FB9] =	sst s10  }
0x35: {  	s10 =	sld [smem:$0x3FB8];
	_ =	sdelay $0x3  }
0x36: {  	p1 =	seq.s32 s10, $0x1;
	s10 =	sld [smem:$0x3FB9];
	_ =	sdelay $0x3  }
0x37: {  	[smem:$0x3FB9] =	sst s10  }
0x38: {  	s10 =	sld [smem:$0x3FBA]  }
0x39: {  	_ = 	snop;
	(pc) =	sbr.ind lr, $3  }
0x3a: {  	_ = 	snop  }
0x3b: {  	_ = 	snop  }
0x3c: {  	p2 =	seq.s32 s10, $0x1;
	s10 =	sld [smem:$0x3FB9]  }
0x3d: {  	_ =	shalt  }
0x3e: {  	_ =	shalt  }
0x3f: {  	_ =	shalt  }
0x40: {  	_ =	shalt  }
0x41: {  	_ =	shalt  }
0x42: {  	_ =	shalt  }
0x43: {  	_ =	shalt  }
0x44: {  	_ =	shalt  }
0x45: {  	_ =	shalt  }
0x46: {  	_ =	shalt  }
0x47: {  	_ =	shalt  }
0x48: {  	_ =	shalt  }
0x49: {  	_ =	shalt  }
0x4a: {  	_ =	shalt  }
0x4b: {  	_ =	shalt  }
0x4c: {  	_ =	shalt  }
0x4d: {  	_ =	shalt  }
0x4e: {  	_ =	shalt  }
0x4f: {  	_ =	shalt  }
0x50: {  	_ =	shalt  }
0x51: {  	_ =	shalt  }
0x52: {  	_ =	shalt  }
0x53: {  	_ =	shalt  }
0x54: {  	_ =	shalt  }
0x55: {  	_ =	shalt  }
0x56: {  	_ =	shalt  }
0x57: {  	_ =	shalt  }
0x58: {  	_ =	shalt  }
0x59: {  	_ =	shalt  }
0x5a: {  	_ =	shalt  }
0x5b: {  	_ =	shalt  }
0x5c: {  	_ =	shalt  }
0x5d: {  	_ =	shalt  }
0x5e: {  	_ =	shalt  }
0x5f: {  	_ =	shalt  }
0x60: {  	_ =	shalt  }
0x61: {  	_ =	shalt  }
0x62: {  	_ =	shalt  }
0x63: {  	_ =	shalt  }
0x64: {  	_ =	shalt  }
0x65: {  	_ =	shalt  }
0x66: {  	_ =	shalt  }
0x67: {  	_ =	shalt  }
0x68: {  	_ =	shalt  }
0x69: {  	_ =	shalt  }
0x6a: {  	_ =	shalt  }
0x6b: {  	_ =	shalt  }
0x6c: {  	_ =	shalt  }
0x6d: {  	_ =	shalt  }
0x6e: {  	_ =	shalt  }
0x6f: {  	_ =	shalt  }
0x70: {  	_ =	shalt  }
0x71: {  	_ =	shalt  }
0x72: {  	_ =	shalt  }
0x73: {  	_ =	shalt  }
0x74: {  	_ =	shalt  }
0x75: {  	_ =	shalt  }
0x76: {  	_ =	shalt  }
0x77: {  	_ =	shalt  }
0x78: {  	_ =	shalt  }
0x79: {  	_ =	shalt  }
0x7a: {  	_ =	shalt  }
0x7b: {  	_ =	shalt  }
0x7c: {  	_ =	shalt  }
0x7d: {  	_ =	shalt  }
0x7e: {  	_ =	shalt  }
0x7f: {  	_ =	shalt  }
0x80: {  	_ =	shalt  }
0x81: {  	_ =	shalt  }
0x82: {  	_ =	shalt  }
0x83: {  	_ =	shalt  }
0x84: {  	_ =	shalt  }
0x85: {  	_ =	shalt  }
0x86: {  	_ =	shalt  }
0x87: {  	_ =	shalt  }
.Lfunc_end0:
.L_simem_size_0:
called_computation.1_lowered:
.L_overlay_start_0:
0x88: {  	s2 =	sld [smem:$0x3FD9]  }
0x89: {  	s3 =	sld [smem:$0x3FFE];
	_ =	sdelay $0x1  }
0x8a: {  	s1 =	srdreg.scid  }
0x8b: {  	s0 =	sand.u32 $0x1, s1  }
0x8c: {  	s17 =	sshll.u32 s0, $0xA;
	s2 =	sadd.s32 s3, s2  }
0x8d: {  	s2 =	sadd.s32 s2, s17  }
0x8e: {  	[smem:$0x3FC5] =	sst s2  }
0x8f: {  	_ = 	snop  }
0x90: {  	s2 =	sld [smem:$0x3FD0];
	(tm) =	ssettm $0x1  }
0x91: {  	s18 =	sld [smem:$0x3FFB];
	_ =	sdelay $0x3  }
0x92: {  	_ =	strace s18  }
0x93: {  	s3 =	sld [smem:$0x3FFC];
	_ =	sdelay $0x3  }
0x94: {  	_ =	strace s3  }
0x95: {  	s3 =	sld [smem:$0x3FFD];
	_ =	sdelay $0x3  }
0x96: {  	_ =	strace s3  }
0x97: {  	_ =	strace $0x8FFFFFFF  }
0x98: {  	s19 =	sld [smem:$0x3FDB];
	_ =	sdelay $0x1  }
0x99: {  	s4 =	simm.s32 $_scs_section_size  }
0x9a: {  	s5 =	simm.s32 $_size__tile_overlayer_lowered;
	s6 =	simm.s32 $_tile_overlayer_lowered  }
0x9b: {  	s22 =	simm.s32 $0x1BFF;
	s21 =	sshll.u32 s6, $0x1;
	s3 =	sadd.s32 s4, s19  }
0x9c: {  	s7 =	simm.s32 $0x0;
	s20 =	sshll.u32 s5, $0x1;
	s5 =	sadd.s32 s21, s3  }
0x9d: {  	[timem:s7], [sflag:s22] =	dma.local [hbm:s5], s20  }
0x9e: {  	_ =	swait.ge [sflag:s22], s20  }
0x9f: {  	s4 =	ssub.s32 $0x0, s20;
	[sflag:s22] =	ssyncset.done $0x0  }
0xa0: {  	[sflag:s22] =	ssyncadd.s32 s4;
	_ =	sdelay $0x1  }
0xa1: {  	s23 =	simm.s32 $0x1B8B  }
0xa2: {  	_ =	swait.ge [sflag:s23], $0x1  }
0xa3: {  	[sflag:s23] =	ssyncset.done $0x0  }
0xa4: {  	s25 =	simm.s32 $0x1B8E;
	s24 =	sld [smem:$0x3FFE];
	[sflag:s23] =	ssyncadd.s32 $0xFFFFFFFF  }
0xa5: {  	s26 =	simm.s32 $execute0_lowered;
	[smem:$0x3FD2] =	sst s25  }
0xa6: {  	s5 =	sshll.u32 s26, $0x1;
	_ =	strace $0x80000046;
	[dreg:$0x1] =	wrdreg $0xFFFFFFFF  }
0xa7: {  	s28 =	simm.s32 $_size_execute0_lowered;
	s3 =	sadd.s32 s3, s5;
	[dreg:$0x0] =	wrdreg $0x0  }
0xa8: {  	s5 =	sshll.u32 s28, $0x1;
	[dreg:$0x2] =	wrdreg s3  }
0xa9: {  	[dreg:$0x3] =	wrdreg s5  }
0xaa: {  	[dreg:$0x4] =	wrdreg $0xC0  }
0xab: {  	_ =	task [dreg:s7], $0x5FFFF  }
0xac: {  	[dreg:$0x1] =	wrdreg $0xFFFFFFFF  }
0xad: {  	[dreg:$0x0] =	wrdreg $0x60  }
0xae: {  	[dreg:$0x2] =	wrdreg s24  }
0xaf: {  	[dreg:$0x3] =	wrdreg s2  }
0xb0: {  	[dreg:$0x4] =	wrdreg $0x9  }
0xb1: {  	_ =	task.clear_ibuf [dreg:s7], $0x5FFFF;
	_ =	strace $0x90000046  }
0xb2: {  	s29 =	simm.s32 $0x9;
	_ =	strace $0x80000048  }
0xb3: {  	_ =	swait.ge [sflag:s29], $0x1  }
0xb4: {  	[sflag:s29] =	ssyncadd.s32 $0xFFFFFFFF  }
0xb5: {  	_ =	strace $0x90000048  }
0xb6: {  	_ =	sfence  }
0xb7: {  	s30 =	sld [smem:$0x0];
	_ =	sdelay $0x2  }
0xb8: {  	s31 =	sshll.u32 s1, $0xD;
	s1 =	sshrl.u32 s1, $0x2  }
0xb9: {  	s3 =	sand.u32 $0x4000, s31;
	s1 =	sadd.s32 s1, s30  }
0xba: {  	s0 =	sor.u32 s3, s0;
	s1 =	sshll.u32 s1, $0x11  }
0xbb: {  	s0 =	sor.u32 s1, s0  }
0xbc: {  	s0 =	sadd.s32 $0x8F2B, s0  }
0xbd: {  	[sflag:s0] =	ssyncadd.remote.s32 $0x1  }
0xbe: {  	_ =	sfence.sel $0xFFFF  }
0xbf: {  	[dreg:$0x0] =	wrdreg $0xFFFFFFFF;
	(pc) =	sbr.abs _section_cstart, $3  }
0xc0: {  	[dreg:$0x1] =	wrdreg $0xFFFFFFFF  }
0xc1: {  	_ =	task.clear_ibuf [dreg:s7], $0x2FFFF;
	_ =	strace $0x9FFFFFFF  }
0xc2: {  	(tm) =	ssettm $0x7FFFFFFF  }
0xc3: {  	_ =	shalt  }
tec
execute0_lowered:
.L_overlay_start_1:
0x0: {  	(tag) =	ssettag $0x1  }
0x1: {  	s0 =	srdreg.scid  }
0x2: {  	s2 =	stileid.u32;
	s1 =	rddreg [dreg:$0x0];
	s9 =	simm.s32 $0x7  }
0x3: {  	s11 =	simm.s32 $0x64;
	s24 =	simm.s32 $0x13000;
	s26 =	simm.s32 $0x14900  }
0x4: {  	s28 =	simm.s32 $0x1;
	s29 =	simm.s32 $0x16200;
	s30 =	simm.s32 $0x2  }
0x5: {  	s31 =	simm.s32 $0x19400;
	s10 =	simm.s32 $0x4;
	s12 =	simm.s32 $0x6  }
0x6: {  	s13 =	simm.s32 $0x0;
	s0 =	sand.u32 $0x1, s0;
	s3 =	sshll.u32 s2, $0x1  }
0x7: {  	s2 =	rddreg [dreg:$0x1];
	s5 =	sadd.s32 $0x1AC00, s1;
	s6 =	sor.u32 s0, s3  }
.Ltmp0:
0x8: {  	s3 =	simm.s32 $0x0;
	s0 =	ssub.s32 $0x2, s0;
	(pc) =	sbr.rel .LBB2_1-.Ltmp0, $4  }
0x9: {  	s4 =	smul.u32 $0xD00, s6;
	[smem:$0x7FF] =	sst s3;
	s8 =	sshrl.u32 s0, $0x1  }
0xa: {  	s6 =	sshll.u32 s6, $0x7;
	_ =	strace $0x80000047;
	s0 =	ssub.s32 s0, s8  }
0xb: {  	s7 =	sadd.s32 s4, s1;
	s4 =	sadd.s32 $0xF43000, s1;
	s8 =	smax.u32 s0, $0x1  }
0xc: {  	s1 =	simm.s32 $0x3;
	s0 =	simm.s32 $0x5;
	s7 =	sadd.s32 $0xC00, s7  }
.LBB2_12:
0xd: {  	s13 =	sadd.s32 $0x1, s13  }
0xe: {  	_ =	swait.ge [sflag:s0], $0x3200;
	p0 =	sne.s32 s13, s8  }
.Ltmp1:
0xf: {  	[sflag:s0] =	ssyncset.done $0x0;
	(pc) =	sbr.rel @!p0 .LBB2_13-.Ltmp1, $4  }
0x10: {  	[sflag:s0] =	ssyncadd.s32 $0xFFFFCE00  }
0x11: {  	_ =	swait.ge [sflag:s12], $0x3200  }
0x12: {  	[sflag:s12] =	ssyncset.done $0x0  }
0x13: {  	[sflag:s12] =	ssyncadd.s32 $0xFFFFCE00  }
.LBB2_1:
0x14: {  	[tilespmem:s3], [sflag:$0x7] =	stream.linear.gather [hbm4b:s7+s3], $0x6800, $0x38;
	[tilespmem:$0x1C600] =	vst v63  }
0x15: {  	_ =	swait.ge [sflag:s9], $0x6800  }
0x16: {  	[sflag:s9] =	ssyncset.done $0x0  }
0x17: {  	s14 =	simm.s32 $0x6800;
	[sflag:s9] =	ssyncadd.s32 $0xFFFF9800  }
0x18: {  	[tilespmem:s14], [sflag:$0x7] =	stream.linear.gather [hbm4b:s5+s3], $0x3200, $0x38;
	[tilespmem:$0x1C600] =	vst v63  }
0x19: {  	_ =	swait.ge [sflag:s9], $0x3200  }
0x1a: {  	[sflag:s9] =	ssyncset.done $0x0  }
0x1b: {  	s23 =	simm.s32 $0x9A00;
	[sflag:s9] =	ssyncadd.s32 $0xFFFFCE00  }
0x1c: {  	[tilespmem:s23], [sflag:$0x1] =	stream.indirect.gather [hbm4b:s4+s11], $0x40, s3, s11, $0xb8;
	[tilespmem:$0x1C600] =	vst v63  }
0x1d: {  	s25 =	simm.s32 $0x68;
	s15 =	simm.s32 $0xB300  }
0x1e: {  	[tilespmem:s15], [sflag:$0x1] =	stream.indirect.gather [hbm4b:s4+s11], $0x40, s25, s11, $0xb8;
	[tilespmem:$0x1C600] =	vst v63  }
0x1f: {  	s16 =	simm.s32 $0xCC00;
	s15 =	simm.s32 $0xD0  }
0x20: {  	[tilespmem:s16], [sflag:$0x2] =	stream.indirect.gather [hbm4b:s4+s11], $0x40, s15, s11, $0xb8;
	[tilespmem:$0x1C600] =	vst v63  }
0x21: {  	s17 =	simm.s32 $0x138;
	s18 =	simm.s32 $0xE500  }
0x22: {  	[tilespmem:s18], [sflag:$0x2] =	stream.indirect.gather [hbm4b:s4+s11], $0x40, s17, s11, $0xb8;
	[tilespmem:$0x1C600] =	vst v63  }
0x23: {  	s19 =	simm.s32 $0x1A0;
	s20 =	simm.s32 $0xFE00  }
0x24: {  	[tilespmem:s20], [sflag:$0x3] =	stream.indirect.gather [hbm4b:s4+s11], $0x40, s19, s11, $0xb8;
	[tilespmem:$0x1C600] =	vst v63  }
0x25: {  	s21 =	simm.s32 $0x208;
	s22 =	simm.s32 $0x11700  }
0x26: {  	[tilespmem:s22], [sflag:$0x3] =	stream.indirect.gather [hbm4b:s4+s11], $0x40, s21, s11, $0xb8;
	[tilespmem:$0x1C600] =	vst v63  }
0x27: {  	s23 =	simm.s32 $0x270  }
0x28: {  	[tilespmem:s24], [sflag:$0x4] =	stream.indirect.gather [hbm4b:s4+s11], $0x40, s23, s11, $0xb8;
	[tilespmem:$0x1C600] =	vst v63  }
0x29: {  	s14 =	simm.s32 $0x0;
	s25 =	simm.s32 $0x2D8  }
0x2a: {  	[tilespmem:s26], [sflag:$0x4] =	stream.indirect.gather [hbm4b:s4+s11], $0x40, s25, s11, $0xb8;
	[tilespmem:$0x1C600] =	vst v63  }
.LBB2_2:
0x2b: {  	_ =	swait.ge [sflag:s28], $0x1900  }
0x2c: {  	[sflag:s28] =	ssyncset.done $0x0  }
0x2d: {  	[sflag:s28] =	ssyncadd.s32 $0xFFFFE700  }
0x2e: {  	_ =	swait.ge [sflag:s28], $0x1900  }
0x2f: {  	p1 =	seq.s32 s14, $0x0;
	[sflag:s28] =	ssyncset.done $0x0  }
0x30: {  	s15 =	simm.s32 @!p1 $0x5;
	[sflag:s28] =	ssyncadd.s32 $0xFFFFE700  }
0x31: {  	_ =	swait.ge @!p1 [sflag:s15], $0x3200  }
0x32: {  	[sflag:s15] =	ssyncset.done @!p1 $0x0  }
0x33: {  	s17 =	simm.s32 $0x9A80;
	[sflag:s15] =	ssyncadd.s32 @!p1 $0xFFFFCE00  }
0x34: {  	s18 =	simm.s32 $0x6880;
	v0 =	vld [tilespmem:s17+$0xFFFFFF80]  }
0x35: {  	v1 =	vld [tilespmem:s18+$0xFFFFFF80];
	_ =	sdelay $0x4  }
0x36: {  	v0 =	vadd.f32 v1, v0  }
0x37: {  	s16 =	simm.s32 $0x16280  }
0x38: {  	[tilespmem:s16+$0xFFFFFF80] =	vst v0  }
0x39: {  	v0 =	vld [tilespmem:s18+$0xFFFFFF90]  }
0x3a: {  	v1 =	vld [tilespmem:s17+$0xFFFFFF90];
	_ =	sdelay $0x4  }
0x3b: {  	v0 =	vadd.f32 v0, v1;
	_ =	sdelay $0x1  }
0x3c: {  	[tilespmem:s16+$0xFFFFFF90] =	vst v0  }
0x3d: {  	v0 =	vld [tilespmem:s17+$0xFFFFFFA0]  }
0x3e: {  	v1 =	vld [tilespmem:s18+$0xFFFFFFA0];
	_ =	sdelay $0x4  }
0x3f: {  	v0 =	vadd.f32 v1, v0;
	_ =	sdelay $0x1  }
0x40: {  	[tilespmem:s16+$0xFFFFFFA0] =	vst v0  }
0x41: {  	v0 =	vld [tilespmem:s17+$0xFFFFFFB0]  }
0x42: {  	v1 =	vld [tilespmem:s18+$0xFFFFFFB0];
	_ =	sdelay $0x4  }
0x43: {  	v0 =	vadd.f32 v1, v0;
	_ =	sdelay $0x1  }
0x44: {  	[tilespmem:s16+$0xFFFFFFB0] =	vst v0  }
0x45: {  	v0 =	vld [tilespmem:s17+$0xFFFFFFC0]  }
0x46: {  	v1 =	vld [tilespmem:s18+$0xFFFFFFC0];
	_ =	sdelay $0x4  }
0x47: {  	v0 =	vadd.f32 v1, v0;
	_ =	sdelay $0x1  }
0x48: {  	[tilespmem:s16+$0xFFFFFFC0] =	vst v0  }
0x49: {  	v0 =	vld [tilespmem:s17+$0xFFFFFFD0]  }
0x4a: {  	v1 =	vld [tilespmem:s18+$0xFFFFFFD0];
	_ =	sdelay $0x4  }
0x4b: {  	v0 =	vadd.f32 v1, v0;
	_ =	sdelay $0x1  }
0x4c: {  	[tilespmem:s16+$0xFFFFFFD0] =	vst v0  }
0x4d: {  	v0 =	vld [tilespmem:s17+$0xFFFFFFE0]  }
0x4e: {  	v1 =	vld [tilespmem:s18+$0xFFFFFFE0];
	_ =	sdelay $0x4  }
0x4f: {  	v0 =	vadd.f32 v1, v0;
	_ =	sdelay $0x1  }
0x50: {  	[tilespmem:s16+$0xFFFFFFE0] =	vst v0  }
0x51: {  	v0 =	vld [tilespmem:s17+$0xFFFFFFF0]  }
0x52: {  	v1 =	vld [tilespmem:s18+$0xFFFFFFF0];
	_ =	sdelay $0x4  }
0x53: {  	v0 =	vadd.f32 v1, v0;
	_ =	sdelay $0x1  }
0x54: {  	[tilespmem:s16+$0xFFFFFFF0] =	vst v0  }
0x55: {  	v0 =	vld [tilespmem:s17+$0x0]  }
0x56: {  	v1 =	vld [tilespmem:s18+$0x0];
	_ =	sdelay $0x4  }
0x57: {  	v0 =	vadd.f32 v1, v0;
	_ =	sdelay $0x1  }
0x58: {  	[tilespmem:s16+$0x0] =	vst v0  }
0x59: {  	v0 =	vld [tilespmem:s17+$0x10]  }
0x5a: {  	v1 =	vld [tilespmem:s18+$0x10];
	_ =	sdelay $0x4  }
0x5b: {  	v0 =	vadd.f32 v1, v0;
	_ =	sdelay $0x1  }
0x5c: {  	[tilespmem:s16+$0x10] =	vst v0  }
0x5d: {  	v0 =	vld [tilespmem:s17+$0x20]  }
0x5e: {  	v1 =	vld [tilespmem:s18+$0x20];
	_ =	sdelay $0x4  }
0x5f: {  	v0 =	vadd.f32 v1, v0;
	_ =	sdelay $0x1  }
0x60: {  	[tilespmem:s16+$0x20] =	vst v0  }
0x61: {  	v0 =	vld [tilespmem:s17+$0x30]  }
0x62: {  	v1 =	vld [tilespmem:s18+$0x30];
	_ =	sdelay $0x4  }
0x63: {  	v0 =	vadd.f32 v1, v0;
	_ =	sdelay $0x1  }
0x64: {  	[tilespmem:s16+$0x30] =	vst v0  }
0x65: {  	v0 =	vld [tilespmem:s17+$0x40]  }
0x66: {  	v1 =	vld [tilespmem:s18+$0x40];
	_ =	sdelay $0x4  }
0x67: {  	v0 =	vadd.f32 v1, v0;
	_ =	sdelay $0x1  }
0x68: {  	[tilespmem:s16+$0x40] =	vst v0  }
0x69: {  	v0 =	vld [tilespmem:s17+$0x50]  }
0x6a: {  	v1 =	vld [tilespmem:s18+$0x50];
	_ =	sdelay $0x4  }
0x6b: {  	v0 =	vadd.f32 v1, v0;
	_ =	sdelay $0x1  }
0x6c: {  	[tilespmem:s16+$0x50] =	vst v0  }
0x6d: {  	s19 =	simm.s32 $0x0;
	s22 =	simm.s32 $0x16380;
	v0 =	vld [tilespmem:s17+$0x60]  }
0x6e: {  	s20 =	simm.s32 $0x9A80;
	s21 =	simm.s32 $0x6880;
	s15 =	sshll.u32 s14, $0x2;
	v1 =	vld [tilespmem:s18+$0x60]  }
.LBB2_3:
0x6f: {  	s19 =	sadd.s32 $0x4, s19;
	s17 =	sadd.s32 $0x100, s17;
	s18 =	sadd.s32 $0x100, s18  }
0x70: {  	p0 =	slt.u32 s19, $0xC4;
	_ =	sdelay $0x2  }
0x71: {  	v0 =	vadd.f32 v1, v0;
	_ =	sdelay $0x1  }
0x72: {  	[tilespmem:s16+$0x60] =	vst v0  }
0x73: {  	v0 =	vld [tilespmem:s20+$0x70];
	s20 =	smov.u32 s17  }
0x74: {  	v1 =	vld [tilespmem:s21+$0x70];
	s21 =	smov.u32 s18;
	_ =	sdelay $0x4  }
0x75: {  	v0 =	vadd.f32 v1, v0;
	_ =	sdelay $0x1  }
0x76: {  	[tilespmem:s16+$0x70] =	vst v0;
	s16 =	smov.u32 s22  }
0x77: {  	v0 =	vld [tilespmem:s17+$0xFFFFFF80]  }
0x78: {  	v1 =	vld [tilespmem:s18+$0xFFFFFF80];
	_ =	sdelay $0x4  }
0x79: {  	v0 =	vadd.f32 v1, v0;
	_ =	sdelay $0x1  }
0x7a: {  	[tilespmem:s22+$0xFFFFFF80] =	vst v0  }
0x7b: {  	v0 =	vld [tilespmem:s18+$0xFFFFFF90]  }
0x7c: {  	v1 =	vld [tilespmem:s17+$0xFFFFFF90];
	_ =	sdelay $0x4  }
0x7d: {  	v0 =	vadd.f32 v0, v1;
	_ =	sdelay $0x1  }
0x7e: {  	[tilespmem:s22+$0xFFFFFF90] =	vst v0  }
0x7f: {  	v0 =	vld [tilespmem:s17+$0xFFFFFFA0]  }
0x80: {  	v1 =	vld [tilespmem:s18+$0xFFFFFFA0];
	_ =	sdelay $0x4  }
0x81: {  	v0 =	vadd.f32 v1, v0;
	_ =	sdelay $0x1  }
0x82: {  	[tilespmem:s22+$0xFFFFFFA0] =	vst v0  }
0x83: {  	v0 =	vld [tilespmem:s17+$0xFFFFFFB0]  }
0x84: {  	v1 =	vld [tilespmem:s18+$0xFFFFFFB0];
	_ =	sdelay $0x4  }
0x85: {  	v0 =	vadd.f32 v1, v0;
	_ =	sdelay $0x1  }
0x86: {  	[tilespmem:s22+$0xFFFFFFB0] =	vst v0  }
0x87: {  	v0 =	vld [tilespmem:s17+$0xFFFFFFC0]  }
0x88: {  	v1 =	vld [tilespmem:s18+$0xFFFFFFC0];
	_ =	sdelay $0x4  }
0x89: {  	v0 =	vadd.f32 v1, v0;
	_ =	sdelay $0x1  }
0x8a: {  	[tilespmem:s22+$0xFFFFFFC0] =	vst v0  }
0x8b: {  	v0 =	vld [tilespmem:s17+$0xFFFFFFD0]  }
0x8c: {  	v1 =	vld [tilespmem:s18+$0xFFFFFFD0];
	_ =	sdelay $0x4  }
0x8d: {  	v0 =	vadd.f32 v1, v0;
	_ =	sdelay $0x1  }
0x8e: {  	[tilespmem:s22+$0xFFFFFFD0] =	vst v0  }
0x8f: {  	v0 =	vld [tilespmem:s17+$0xFFFFFFE0]  }
0x90: {  	v1 =	vld [tilespmem:s18+$0xFFFFFFE0];
	_ =	sdelay $0x4  }
0x91: {  	v0 =	vadd.f32 v1, v0;
	_ =	sdelay $0x1  }
0x92: {  	[tilespmem:s22+$0xFFFFFFE0] =	vst v0  }
0x93: {  	v0 =	vld [tilespmem:s17+$0xFFFFFFF0]  }
0x94: {  	v1 =	vld [tilespmem:s18+$0xFFFFFFF0];
	_ =	sdelay $0x4  }
0x95: {  	v0 =	vadd.f32 v1, v0;
	_ =	sdelay $0x1  }
0x96: {  	[tilespmem:s22+$0xFFFFFFF0] =	vst v0  }
0x97: {  	v0 =	vld [tilespmem:s17+$0x0]  }
0x98: {  	v1 =	vld [tilespmem:s18+$0x0];
	_ =	sdelay $0x4  }
0x99: {  	v0 =	vadd.f32 v1, v0;
	_ =	sdelay $0x1  }
0x9a: {  	[tilespmem:s22+$0x0] =	vst v0  }
0x9b: {  	v0 =	vld [tilespmem:s17+$0x10]  }
0x9c: {  	v1 =	vld [tilespmem:s18+$0x10];
	_ =	sdelay $0x4  }
0x9d: {  	v0 =	vadd.f32 v1, v0;
	_ =	sdelay $0x1  }
0x9e: {  	[tilespmem:s22+$0x10] =	vst v0  }
0x9f: {  	v0 =	vld [tilespmem:s17+$0x20]  }
0xa0: {  	v1 =	vld [tilespmem:s18+$0x20];
	_ =	sdelay $0x4  }
0xa1: {  	v0 =	vadd.f32 v1, v0;
	_ =	sdelay $0x1  }
0xa2: {  	[tilespmem:s22+$0x20] =	vst v0  }
0xa3: {  	v0 =	vld [tilespmem:s17+$0x30]  }
0xa4: {  	v1 =	vld [tilespmem:s18+$0x30];
	_ =	sdelay $0x4  }
0xa5: {  	v0 =	vadd.f32 v1, v0;
	_ =	sdelay $0x1  }
0xa6: {  	[tilespmem:s22+$0x30] =	vst v0  }
0xa7: {  	v0 =	vld [tilespmem:s17+$0x40]  }
0xa8: {  	v1 =	vld [tilespmem:s18+$0x40];
	_ =	sdelay $0x4  }
0xa9: {  	v0 =	vadd.f32 v1, v0;
	_ =	sdelay $0x1  }
0xaa: {  	[tilespmem:s22+$0x40] =	vst v0  }
0xab: {  	v0 =	vld [tilespmem:s17+$0x50]  }
0xac: {  	v1 =	vld [tilespmem:s18+$0x50];
	_ =	sdelay $0x4  }
.Ltmp2:
0xad: {  	v0 =	vadd.f32 v1, v0;
	(pc) =	sbr.rel @p0 .LBB2_3-.Ltmp2, $4  }
0xae: {  	_ = 	snop  }
0xaf: {  	[tilespmem:s22+$0x50] =	vst v0  }
0xb0: {  	v0 =	vld [tilespmem:s17+$0x60]  }
0xb1: {  	s22 =	sadd.s32 $0x100, s22;
	v1 =	vld [tilespmem:s18+$0x60]  }
0xb2: {  	_ =	sdelay $0x3  }
0xb3: {  	v0 =	vadd.f32 v1, v0;
	_ =	sdelay $0x1  }
0xb4: {  	[tilespmem:s16+$0x60] =	vst v0  }
0xb5: {  	v0 =	vld [tilespmem:s20+$0x70]  }
0xb6: {  	v1 =	vld [tilespmem:s21+$0x70];
	_ =	sdelay $0x1  }
0xb7: {  	s17 =	sadd.s32 s6, s15  }
0xb8: {  	s17 =	smul.u32 $0x640, s17  }
0xb9: {  	p0 =	seq.s32 s14, $0x1F  }
0xba: {  	s25 =	sadd.s32 s2, s17;
	s17 =	smul.u32 @!p0 $0xD00, s14;
	v0 =	vadd.f32 v1, v0;
	_ =	sdelay $0x1  }
0xbb: {  	[tilespmem:s16+$0x70] =	vst v0;
	s16 =	sshra.s32 @!p0 s17, $0x2  }
0xbc: {  	[hbm4b:s25+s3] =	stream.linear.scatter [tilespmem:s29], [sflag:$0x5], $0x3200, $0x38;
	[tilespmem:$0x1C600] =	vst v63  }
0xbd: {  	s18 =	simm.s32 @!p0 $0x64;
	s19 =	simm.s32 @!p0 $0x9A00;
	s17 =	sadd.s32 @!p0 $0x340, s16  }
0xbe: {  	[tilespmem:s19], [sflag:$0x1] =	stream.indirect.gather @!p0 [hbm4b:s4+s18], $0x40, s17, s18, $0xb8;
	[tilespmem:$0x1C600] =	vst v63  }
0xbf: {  	s17 =	sadd.s32 @!p0 $0x3A8, s16;
	s19 =	simm.s32 @!p0 $0xB300  }
0xc0: {  	[tilespmem:s19], [sflag:$0x1] =	stream.indirect.gather @!p0 [hbm4b:s4+s18], $0x40, s17, s18, $0xb8;
	[tilespmem:$0x1C600] =	vst v63  }
0xc1: {  	_ =	swait.ge [sflag:s30], $0x1900  }
0xc2: {  	[sflag:s30] =	ssyncset.done $0x0  }
0xc3: {  	[sflag:s30] =	ssyncadd.s32 $0xFFFFE700  }
0xc4: {  	_ =	swait.ge [sflag:s30], $0x1900  }
0xc5: {  	[sflag:s30] =	ssyncset.done $0x0  }
0xc6: {  	s17 =	simm.s32 @!p1 $0x6;
	[sflag:s30] =	ssyncadd.s32 $0xFFFFE700  }
0xc7: {  	_ =	swait.ge @!p1 [sflag:s17], $0x3200  }
0xc8: {  	[sflag:s17] =	ssyncset.done @!p1 $0x0  }
0xc9: {  	s18 =	simm.s32 $0xCC80;
	[sflag:s17] =	ssyncadd.s32 @!p1 $0xFFFFCE00  }
0xca: {  	s19 =	simm.s32 $0x6880;
	v0 =	vld [tilespmem:s18+$0xFFFFFF80]  }
0xcb: {  	v1 =	vld [tilespmem:s19+$0xFFFFFF80];
	_ =	sdelay $0x4  }
0xcc: {  	v0 =	vadd.f32 v1, v0  }
0xcd: {  	s17 =	simm.s32 $0x19480  }
0xce: {  	[tilespmem:s17+$0xFFFFFF80] =	vst v0  }
0xcf: {  	v0 =	vld [tilespmem:s19+$0xFFFFFF90]  }
0xd0: {  	v1 =	vld [tilespmem:s18+$0xFFFFFF90];
	_ =	sdelay $0x4  }
0xd1: {  	v0 =	vadd.f32 v0, v1;
	_ =	sdelay $0x1  }
0xd2: {  	[tilespmem:s17+$0xFFFFFF90] =	vst v0  }
0xd3: {  	v0 =	vld [tilespmem:s18+$0xFFFFFFA0]  }
0xd4: {  	v1 =	vld [tilespmem:s19+$0xFFFFFFA0];
	_ =	sdelay $0x4  }
0xd5: {  	v0 =	vadd.f32 v1, v0;
	_ =	sdelay $0x1  }
0xd6: {  	[tilespmem:s17+$0xFFFFFFA0] =	vst v0  }
0xd7: {  	v0 =	vld [tilespmem:s18+$0xFFFFFFB0]  }
0xd8: {  	v1 =	vld [tilespmem:s19+$0xFFFFFFB0];
	_ =	sdelay $0x4  }
0xd9: {  	v0 =	vadd.f32 v1, v0;
	_ =	sdelay $0x1  }
0xda: {  	[tilespmem:s17+$0xFFFFFFB0] =	vst v0  }
0xdb: {  	v0 =	vld [tilespmem:s18+$0xFFFFFFC0]  }
0xdc: {  	v1 =	vld [tilespmem:s19+$0xFFFFFFC0];
	_ =	sdelay $0x4  }
0xdd: {  	v0 =	vadd.f32 v1, v0;
	_ =	sdelay $0x1  }
0xde: {  	[tilespmem:s17+$0xFFFFFFC0] =	vst v0  }
0xdf: {  	v0 =	vld [tilespmem:s18+$0xFFFFFFD0]  }
0xe0: {  	v1 =	vld [tilespmem:s19+$0xFFFFFFD0];
	_ =	sdelay $0x4  }
0xe1: {  	v0 =	vadd.f32 v1, v0;
	_ =	sdelay $0x1  }
0xe2: {  	[tilespmem:s17+$0xFFFFFFD0] =	vst v0  }
0xe3: {  	v0 =	vld [tilespmem:s18+$0xFFFFFFE0]  }
0xe4: {  	v1 =	vld [tilespmem:s19+$0xFFFFFFE0];
	_ =	sdelay $0x4  }
0xe5: {  	v0 =	vadd.f32 v1, v0;
	_ =	sdelay $0x1  }
0xe6: {  	[tilespmem:s17+$0xFFFFFFE0] =	vst v0  }
0xe7: {  	v0 =	vld [tilespmem:s18+$0xFFFFFFF0]  }
0xe8: {  	v1 =	vld [tilespmem:s19+$0xFFFFFFF0];
	_ =	sdelay $0x4  }
0xe9: {  	v0 =	vadd.f32 v1, v0;
	_ =	sdelay $0x1  }
0xea: {  	[tilespmem:s17+$0xFFFFFFF0] =	vst v0  }
0xeb: {  	v0 =	vld [tilespmem:s18+$0x0]  }
0xec: {  	v1 =	vld [tilespmem:s19+$0x0];
	_ =	sdelay $0x4  }
0xed: {  	v0 =	vadd.f32 v1, v0;
	_ =	sdelay $0x1  }
0xee: {  	[tilespmem:s17+$0x0] =	vst v0  }
0xef: {  	v0 =	vld [tilespmem:s18+$0x10]  }
0xf0: {  	v1 =	vld [tilespmem:s19+$0x10];
	_ =	sdelay $0x4  }
0xf1: {  	v0 =	vadd.f32 v1, v0;
	_ =	sdelay $0x1  }
0xf2: {  	[tilespmem:s17+$0x10] =	vst v0  }
0xf3: {  	v0 =	vld [tilespmem:s18+$0x20]  }
0xf4: {  	v1 =	vld [tilespmem:s19+$0x20];
	_ =	sdelay $0x4  }
0xf5: {  	v0 =	vadd.f32 v1, v0;
	_ =	sdelay $0x1  }
0xf6: {  	[tilespmem:s17+$0x20] =	vst v0  }
0xf7: {  	v0 =	vld [tilespmem:s18+$0x30]  }
0xf8: {  	v1 =	vld [tilespmem:s19+$0x30];
	_ =	sdelay $0x4  }
0xf9: {  	v0 =	vadd.f32 v1, v0;
	_ =	sdelay $0x1  }
0xfa: {  	[tilespmem:s17+$0x30] =	vst v0  }
0xfb: {  	v0 =	vld [tilespmem:s18+$0x40]  }
0xfc: {  	v1 =	vld [tilespmem:s19+$0x40];
	_ =	sdelay $0x4  }
0xfd: {  	v0 =	vadd.f32 v1, v0;
	_ =	sdelay $0x1  }
0xfe: {  	[tilespmem:s17+$0x40] =	vst v0  }
0xff: {  	v0 =	vld [tilespmem:s18+$0x50]  }
0x100: {  	v1 =	vld [tilespmem:s19+$0x50];
	_ =	sdelay $0x4  }
0x101: {  	v0 =	vadd.f32 v1, v0;
	_ =	sdelay $0x1  }
0x102: {  	[tilespmem:s17+$0x50] =	vst v0  }
0x103: {  	s22 =	simm.s32 $0xCC80;
	s23 =	simm.s32 $0x6880;
	v0 =	vld [tilespmem:s18+$0x60]  }
0x104: {  	s20 =	sor.u32 $0x1, s15;
	s21 =	simm.s32 $0x0;
	s25 =	simm.s32 $0x19580;
	v1 =	vld [tilespmem:s19+$0x60]  }
.LBB2_5:
0x105: {  	s21 =	sadd.s32 $0x4, s21;
	s18 =	sadd.s32 $0x100, s18;
	s19 =	sadd.s32 $0x100, s19  }
0x106: {  	p1 =	slt.u32 s21, $0xC4;
	_ =	sdelay $0x2  }
0x107: {  	v0 =	vadd.f32 v1, v0;
	_ =	sdelay $0x1  }
0x108: {  	[tilespmem:s17+$0x60] =	vst v0  }
0x109: {  	v0 =	vld [tilespmem:s22+$0x70];
	s22 =	smov.u32 s18  }
0x10a: {  	v1 =	vld [tilespmem:s23+$0x70];
	s23 =	smov.u32 s19;
	_ =	sdelay $0x4  }
0x10b: {  	v0 =	vadd.f32 v1, v0;
	_ =	sdelay $0x1  }
0x10c: {  	[tilespmem:s17+$0x70] =	vst v0;
	s17 =	smov.u32 s25  }
0x10d: {  	v0 =	vld [tilespmem:s18+$0xFFFFFF80]  }
0x10e: {  	v1 =	vld [tilespmem:s19+$0xFFFFFF80];
	_ =	sdelay $0x4  }
0x10f: {  	v0 =	vadd.f32 v1, v0;
	_ =	sdelay $0x1  }
0x110: {  	[tilespmem:s25+$0xFFFFFF80] =	vst v0  }
0x111: {  	v0 =	vld [tilespmem:s19+$0xFFFFFF90]  }
0x112: {  	v1 =	vld [tilespmem:s18+$0xFFFFFF90];
	_ =	sdelay $0x4  }
0x113: {  	v0 =	vadd.f32 v0, v1;
	_ =	sdelay $0x1  }
0x114: {  	[tilespmem:s25+$0xFFFFFF90] =	vst v0  }
0x115: {  	v0 =	vld [tilespmem:s18+$0xFFFFFFA0]  }
0x116: {  	v1 =	vld [tilespmem:s19+$0xFFFFFFA0];
	_ =	sdelay $0x4  }
0x117: {  	v0 =	vadd.f32 v1, v0;
	_ =	sdelay $0x1  }
0x118: {  	[tilespmem:s25+$0xFFFFFFA0] =	vst v0  }
0x119: {  	v0 =	vld [tilespmem:s18+$0xFFFFFFB0]  }
0x11a: {  	v1 =	vld [tilespmem:s19+$0xFFFFFFB0];
	_ =	sdelay $0x4  }
0x11b: {  	v0 =	vadd.f32 v1, v0;
	_ =	sdelay $0x1  }
0x11c: {  	[tilespmem:s25+$0xFFFFFFB0] =	vst v0  }
0x11d: {  	v0 =	vld [tilespmem:s18+$0xFFFFFFC0]  }
0x11e: {  	v1 =	vld [tilespmem:s19+$0xFFFFFFC0];
	_ =	sdelay $0x4  }
0x11f: {  	v0 =	vadd.f32 v1, v0;
	_ =	sdelay $0x1  }
0x120: {  	[tilespmem:s25+$0xFFFFFFC0] =	vst v0  }
0x121: {  	v0 =	vld [tilespmem:s18+$0xFFFFFFD0]  }
0x122: {  	v1 =	vld [tilespmem:s19+$0xFFFFFFD0];
	_ =	sdelay $0x4  }
0x123: {  	v0 =	vadd.f32 v1, v0;
	_ =	sdelay $0x1  }
0x124: {  	[tilespmem:s25+$0xFFFFFFD0] =	vst v0  }
0x125: {  	v0 =	vld [tilespmem:s18+$0xFFFFFFE0]  }
0x126: {  	v1 =	vld [tilespmem:s19+$0xFFFFFFE0];
	_ =	sdelay $0x4  }
0x127: {  	v0 =	vadd.f32 v1, v0;
	_ =	sdelay $0x1  }
0x128: {  	[tilespmem:s25+$0xFFFFFFE0] =	vst v0  }
0x129: {  	v0 =	vld [tilespmem:s18+$0xFFFFFFF0]  }
0x12a: {  	v1 =	vld [tilespmem:s19+$0xFFFFFFF0];
	_ =	sdelay $0x4  }
0x12b: {  	v0 =	vadd.f32 v1, v0;
	_ =	sdelay $0x1  }
0x12c: {  	[tilespmem:s25+$0xFFFFFFF0] =	vst v0  }
0x12d: {  	v0 =	vld [tilespmem:s18+$0x0]  }
0x12e: {  	v1 =	vld [tilespmem:s19+$0x0];
	_ =	sdelay $0x4  }
0x12f: {  	v0 =	vadd.f32 v1, v0;
	_ =	sdelay $0x1  }
0x130: {  	[tilespmem:s25+$0x0] =	vst v0  }
0x131: {  	v0 =	vld [tilespmem:s18+$0x10]  }
0x132: {  	v1 =	vld [tilespmem:s19+$0x10];
	_ =	sdelay $0x4  }
0x133: {  	v0 =	vadd.f32 v1, v0;
	_ =	sdelay $0x1  }
0x134: {  	[tilespmem:s25+$0x10] =	vst v0  }
0x135: {  	v0 =	vld [tilespmem:s18+$0x20]  }
0x136: {  	v1 =	vld [tilespmem:s19+$0x20];
	_ =	sdelay $0x4  }
0x137: {  	v0 =	vadd.f32 v1, v0;
	_ =	sdelay $0x1  }
0x138: {  	[tilespmem:s25+$0x20] =	vst v0  }
0x139: {  	v0 =	vld [tilespmem:s18+$0x30]  }
0x13a: {  	v1 =	vld [tilespmem:s19+$0x30];
	_ =	sdelay $0x4  }
0x13b: {  	v0 =	vadd.f32 v1, v0;
	_ =	sdelay $0x1  }
0x13c: {  	[tilespmem:s25+$0x30] =	vst v0  }
0x13d: {  	v0 =	vld [tilespmem:s18+$0x40]  }
0x13e: {  	v1 =	vld [tilespmem:s19+$0x40];
	_ =	sdelay $0x4  }
0x13f: {  	v0 =	vadd.f32 v1, v0;
	_ =	sdelay $0x1  }
0x140: {  	[tilespmem:s25+$0x40] =	vst v0  }
0x141: {  	v0 =	vld [tilespmem:s18+$0x50]  }
0x142: {  	v1 =	vld [tilespmem:s19+$0x50];
	_ =	sdelay $0x4  }
.Ltmp3:
0x143: {  	v0 =	vadd.f32 v1, v0;
	(pc) =	sbr.rel @p1 .LBB2_5-.Ltmp3, $4  }
0x144: {  	_ = 	snop  }
0x145: {  	[tilespmem:s25+$0x50] =	vst v0  }
0x146: {  	v0 =	vld [tilespmem:s18+$0x60]  }
0x147: {  	s25 =	sadd.s32 $0x100, s25;
	v1 =	vld [tilespmem:s19+$0x60]  }
0x148: {  	_ =	sdelay $0x3  }
0x149: {  	v0 =	vadd.f32 v1, v0;
	_ =	sdelay $0x1  }
0x14a: {  	[tilespmem:s17+$0x60] =	vst v0  }
0x14b: {  	v0 =	vld [tilespmem:s22+$0x70]  }
0x14c: {  	v1 =	vld [tilespmem:s23+$0x70];
	_ =	sdelay $0x3  }
0x14d: {  	s18 =	sadd.s32 s6, s20  }
0x14e: {  	s18 =	smul.u32 $0x640, s18;
	v0 =	vadd.f32 v1, v0;
	_ =	sdelay $0x1  }
0x14f: {  	s25 =	sadd.s32 s2, s18;
	[tilespmem:s17+$0x70] =	vst v0  }
0x150: {  	[hbm4b:s25+s3] =	stream.linear.scatter [tilespmem:s31], [sflag:$0x6], $0x3200, $0x38;
	[tilespmem:$0x1C600] =	vst v63  }
0x151: {  	s19 =	simm.s32 @!p0 $0xCC00;
	s18 =	simm.s32 @!p0 $0x64;
	s17 =	sadd.s32 @!p0 $0x410, s16  }
0x152: {  	[tilespmem:s19], [sflag:$0x2] =	stream.indirect.gather @!p0 [hbm4b:s4+s18], $0x40, s17, s18, $0xb8;
	[tilespmem:$0x1C600] =	vst v63  }
0x153: {  	s17 =	sadd.s32 @!p0 $0x478, s16;
	s19 =	simm.s32 @!p0 $0xE500  }
0x154: {  	[tilespmem:s19], [sflag:$0x2] =	stream.indirect.gather @!p0 [hbm4b:s4+s18], $0x40, s17, s18, $0xb8;
	[tilespmem:$0x1C600] =	vst v63  }
0x155: {  	_ =	swait.ge [sflag:s1], $0x1900  }
0x156: {  	[sflag:s1] =	ssyncset.done $0x0  }
0x157: {  	[sflag:s1] =	ssyncadd.s32 $0xFFFFE700  }
0x158: {  	_ =	swait.ge [sflag:s1], $0x1900  }
0x159: {  	[sflag:s1] =	ssyncset.done $0x0  }
0x15a: {  	[sflag:s1] =	ssyncadd.s32 $0xFFFFE700  }
0x15b: {  	_ =	swait.ge [sflag:s0], $0x3200  }
0x15c: {  	[sflag:s0] =	ssyncset.done $0x0  }
0x15d: {  	s18 =	simm.s32 $0xFE80;
	[sflag:s0] =	ssyncadd.s32 $0xFFFFCE00  }
0x15e: {  	s19 =	simm.s32 $0x6880;
	v0 =	vld [tilespmem:s18+$0xFFFFFF80]  }
0x15f: {  	v1 =	vld [tilespmem:s19+$0xFFFFFF80];
	_ =	sdelay $0x4  }
0x160: {  	v0 =	vadd.f32 v1, v0  }
0x161: {  	s17 =	simm.s32 $0x16280  }
0x162: {  	[tilespmem:s17+$0xFFFFFF80] =	vst v0  }
0x163: {  	v0 =	vld [tilespmem:s19+$0xFFFFFF90]  }
0x164: {  	v1 =	vld [tilespmem:s18+$0xFFFFFF90];
	_ =	sdelay $0x4  }
0x165: {  	v0 =	vadd.f32 v0, v1;
	_ =	sdelay $0x1  }
0x166: {  	[tilespmem:s17+$0xFFFFFF90] =	vst v0  }
0x167: {  	v0 =	vld [tilespmem:s18+$0xFFFFFFA0]  }
0x168: {  	v1 =	vld [tilespmem:s19+$0xFFFFFFA0];
	_ =	sdelay $0x4  }
0x169: {  	v0 =	vadd.f32 v1, v0;
	_ =	sdelay $0x1  }
0x16a: {  	[tilespmem:s17+$0xFFFFFFA0] =	vst v0  }
0x16b: {  	v0 =	vld [tilespmem:s18+$0xFFFFFFB0]  }
0x16c: {  	v1 =	vld [tilespmem:s19+$0xFFFFFFB0];
	_ =	sdelay $0x4  }
0x16d: {  	v0 =	vadd.f32 v1, v0;
	_ =	sdelay $0x1  }
0x16e: {  	[tilespmem:s17+$0xFFFFFFB0] =	vst v0  }
0x16f: {  	v0 =	vld [tilespmem:s18+$0xFFFFFFC0]  }
0x170: {  	v1 =	vld [tilespmem:s19+$0xFFFFFFC0];
	_ =	sdelay $0x4  }
0x171: {  	v0 =	vadd.f32 v1, v0;
	_ =	sdelay $0x1  }
0x172: {  	[tilespmem:s17+$0xFFFFFFC0] =	vst v0  }
0x173: {  	v0 =	vld [tilespmem:s18+$0xFFFFFFD0]  }
0x174: {  	v1 =	vld [tilespmem:s19+$0xFFFFFFD0];
	_ =	sdelay $0x4  }
0x175: {  	v0 =	vadd.f32 v1, v0;
	_ =	sdelay $0x1  }
0x176: {  	[tilespmem:s17+$0xFFFFFFD0] =	vst v0  }
0x177: {  	v0 =	vld [tilespmem:s18+$0xFFFFFFE0]  }
0x178: {  	v1 =	vld [tilespmem:s19+$0xFFFFFFE0];
	_ =	sdelay $0x4  }
0x179: {  	v0 =	vadd.f32 v1, v0;
	_ =	sdelay $0x1  }
0x17a: {  	[tilespmem:s17+$0xFFFFFFE0] =	vst v0  }
0x17b: {  	v0 =	vld [tilespmem:s18+$0xFFFFFFF0]  }
0x17c: {  	v1 =	vld [tilespmem:s19+$0xFFFFFFF0];
	_ =	sdelay $0x4  }
0x17d: {  	v0 =	vadd.f32 v1, v0;
	_ =	sdelay $0x1  }
0x17e: {  	[tilespmem:s17+$0xFFFFFFF0] =	vst v0  }
0x17f: {  	v0 =	vld [tilespmem:s18+$0x0]  }
0x180: {  	v1 =	vld [tilespmem:s19+$0x0];
	_ =	sdelay $0x4  }
0x181: {  	v0 =	vadd.f32 v1, v0;
	_ =	sdelay $0x1  }
0x182: {  	[tilespmem:s17+$0x0] =	vst v0  }
0x183: {  	v0 =	vld [tilespmem:s18+$0x10]  }
0x184: {  	v1 =	vld [tilespmem:s19+$0x10];
	_ =	sdelay $0x4  }
0x185: {  	v0 =	vadd.f32 v1, v0;
	_ =	sdelay $0x1  }
0x186: {  	[tilespmem:s17+$0x10] =	vst v0  }
0x187: {  	v0 =	vld [tilespmem:s18+$0x20]  }
0x188: {  	v1 =	vld [tilespmem:s19+$0x20];
	_ =	sdelay $0x4  }
0x189: {  	v0 =	vadd.f32 v1, v0;
	_ =	sdelay $0x1  }
0x18a: {  	[tilespmem:s17+$0x20] =	vst v0  }
0x18b: {  	v0 =	vld [tilespmem:s18+$0x30]  }
0x18c: {  	v1 =	vld [tilespmem:s19+$0x30];
	_ =	sdelay $0x4  }
0x18d: {  	v0 =	vadd.f32 v1, v0;
	_ =	sdelay $0x1  }
0x18e: {  	[tilespmem:s17+$0x30] =	vst v0  }
0x18f: {  	v0 =	vld [tilespmem:s18+$0x40]  }
0x190: {  	v1 =	vld [tilespmem:s19+$0x40];
	_ =	sdelay $0x4  }
0x191: {  	v0 =	vadd.f32 v1, v0;
	_ =	sdelay $0x1  }
0x192: {  	[tilespmem:s17+$0x40] =	vst v0  }
0x193: {  	v0 =	vld [tilespmem:s18+$0x50]  }
0x194: {  	v1 =	vld [tilespmem:s19+$0x50];
	_ =	sdelay $0x4  }
0x195: {  	v0 =	vadd.f32 v1, v0;
	_ =	sdelay $0x1  }
0x196: {  	[tilespmem:s17+$0x50] =	vst v0  }
0x197: {  	s20 =	simm.s32 $0x0;
	v0 =	vld [tilespmem:s18+$0x60]  }
0x198: {  	s21 =	simm.s32 $0xFE80;
	s23 =	simm.s32 $0x16380;
	s22 =	simm.s32 $0x6880;
	v1 =	vld [tilespmem:s19+$0x60]  }
.LBB2_7:
0x199: {  	s20 =	sadd.s32 $0x4, s20;
	s18 =	sadd.s32 $0x100, s18;
	s19 =	sadd.s32 $0x100, s19  }
0x19a: {  	p1 =	slt.u32 s20, $0xC4;
	_ =	sdelay $0x2  }
0x19b: {  	v0 =	vadd.f32 v1, v0;
	_ =	sdelay $0x1  }
0x19c: {  	[tilespmem:s17+$0x60] =	vst v0  }
0x19d: {  	v0 =	vld [tilespmem:s21+$0x70];
	s21 =	smov.u32 s18  }
0x19e: {  	v1 =	vld [tilespmem:s22+$0x70];
	s22 =	smov.u32 s19;
	_ =	sdelay $0x4  }
0x19f: {  	v0 =	vadd.f32 v1, v0;
	_ =	sdelay $0x1  }
0x1a0: {  	[tilespmem:s17+$0x70] =	vst v0;
	s17 =	smov.u32 s23  }
0x1a1: {  	v0 =	vld [tilespmem:s18+$0xFFFFFF80]  }
0x1a2: {  	v1 =	vld [tilespmem:s19+$0xFFFFFF80];
	_ =	sdelay $0x4  }
0x1a3: {  	v0 =	vadd.f32 v1, v0;
	_ =	sdelay $0x1  }
0x1a4: {  	[tilespmem:s23+$0xFFFFFF80] =	vst v0  }
0x1a5: {  	v0 =	vld [tilespmem:s19+$0xFFFFFF90]  }
0x1a6: {  	v1 =	vld [tilespmem:s18+$0xFFFFFF90];
	_ =	sdelay $0x4  }
0x1a7: {  	v0 =	vadd.f32 v0, v1;
	_ =	sdelay $0x1  }
0x1a8: {  	[tilespmem:s23+$0xFFFFFF90] =	vst v0  }
0x1a9: {  	v0 =	vld [tilespmem:s18+$0xFFFFFFA0]  }
0x1aa: {  	v1 =	vld [tilespmem:s19+$0xFFFFFFA0];
	_ =	sdelay $0x4  }
0x1ab: {  	v0 =	vadd.f32 v1, v0;
	_ =	sdelay $0x1  }
0x1ac: {  	[tilespmem:s23+$0xFFFFFFA0] =	vst v0  }
0x1ad: {  	v0 =	vld [tilespmem:s18+$0xFFFFFFB0]  }
0x1ae: {  	v1 =	vld [tilespmem:s19+$0xFFFFFFB0];
	_ =	sdelay $0x4  }
0x1af: {  	v0 =	vadd.f32 v1, v0;
	_ =	sdelay $0x1  }
0x1b0: {  	[tilespmem:s23+$0xFFFFFFB0] =	vst v0  }
0x1b1: {  	v0 =	vld [tilespmem:s18+$0xFFFFFFC0]  }
0x1b2: {  	v1 =	vld [tilespmem:s19+$0xFFFFFFC0];
	_ =	sdelay $0x4  }
0x1b3: {  	v0 =	vadd.f32 v1, v0;
	_ =	sdelay $0x1  }
0x1b4: {  	[tilespmem:s23+$0xFFFFFFC0] =	vst v0  }
0x1b5: {  	v0 =	vld [tilespmem:s18+$0xFFFFFFD0]  }
0x1b6: {  	v1 =	vld [tilespmem:s19+$0xFFFFFFD0];
	_ =	sdelay $0x4  }
0x1b7: {  	v0 =	vadd.f32 v1, v0;
	_ =	sdelay $0x1  }
0x1b8: {  	[tilespmem:s23+$0xFFFFFFD0] =	vst v0  }
0x1b9: {  	v0 =	vld [tilespmem:s18+$0xFFFFFFE0]  }
0x1ba: {  	v1 =	vld [tilespmem:s19+$0xFFFFFFE0];
	_ =	sdelay $0x4  }
0x1bb: {  	v0 =	vadd.f32 v1, v0;
	_ =	sdelay $0x1  }
0x1bc: {  	[tilespmem:s23+$0xFFFFFFE0] =	vst v0  }
0x1bd: {  	v0 =	vld [tilespmem:s18+$0xFFFFFFF0]  }
0x1be: {  	v1 =	vld [tilespmem:s19+$0xFFFFFFF0];
	_ =	sdelay $0x4  }
0x1bf: {  	v0 =	vadd.f32 v1, v0;
	_ =	sdelay $0x1  }
0x1c0: {  	[tilespmem:s23+$0xFFFFFFF0] =	vst v0  }
0x1c1: {  	v0 =	vld [tilespmem:s18+$0x0]  }
0x1c2: {  	v1 =	vld [tilespmem:s19+$0x0];
	_ =	sdelay $0x4  }
0x1c3: {  	v0 =	vadd.f32 v1, v0;
	_ =	sdelay $0x1  }
0x1c4: {  	[tilespmem:s23+$0x0] =	vst v0  }
0x1c5: {  	v0 =	vld [tilespmem:s18+$0x10]  }
0x1c6: {  	v1 =	vld [tilespmem:s19+$0x10];
	_ =	sdelay $0x4  }
0x1c7: {  	v0 =	vadd.f32 v1, v0;
	_ =	sdelay $0x1  }
0x1c8: {  	[tilespmem:s23+$0x10] =	vst v0  }
0x1c9: {  	v0 =	vld [tilespmem:s18+$0x20]  }
0x1ca: {  	v1 =	vld [tilespmem:s19+$0x20];
	_ =	sdelay $0x4  }
0x1cb: {  	v0 =	vadd.f32 v1, v0;
	_ =	sdelay $0x1  }
0x1cc: {  	[tilespmem:s23+$0x20] =	vst v0  }
0x1cd: {  	v0 =	vld [tilespmem:s18+$0x30]  }
0x1ce: {  	v1 =	vld [tilespmem:s19+$0x30];
	_ =	sdelay $0x4  }
0x1cf: {  	v0 =	vadd.f32 v1, v0;
	_ =	sdelay $0x1  }
0x1d0: {  	[tilespmem:s23+$0x30] =	vst v0  }
0x1d1: {  	v0 =	vld [tilespmem:s18+$0x40]  }
0x1d2: {  	v1 =	vld [tilespmem:s19+$0x40];
	_ =	sdelay $0x4  }
0x1d3: {  	v0 =	vadd.f32 v1, v0;
	_ =	sdelay $0x1  }
0x1d4: {  	[tilespmem:s23+$0x40] =	vst v0  }
0x1d5: {  	v0 =	vld [tilespmem:s18+$0x50]  }
0x1d6: {  	v1 =	vld [tilespmem:s19+$0x50];
	_ =	sdelay $0x4  }
.Ltmp4:
0x1d7: {  	v0 =	vadd.f32 v1, v0;
	(pc) =	sbr.rel @p1 .LBB2_7-.Ltmp4, $4  }
0x1d8: {  	_ = 	snop  }
0x1d9: {  	[tilespmem:s23+$0x50] =	vst v0  }
0x1da: {  	v0 =	vld [tilespmem:s18+$0x60]  }
0x1db: {  	s23 =	sadd.s32 $0x100, s23;
	v1 =	vld [tilespmem:s19+$0x60]  }
0x1dc: {  	_ =	sdelay $0x3  }
0x1dd: {  	v0 =	vadd.f32 v1, v0;
	_ =	sdelay $0x1  }
0x1de: {  	[tilespmem:s17+$0x60] =	vst v0  }
0x1df: {  	v0 =	vld [tilespmem:s21+$0x70]  }
0x1e0: {  	v1 =	vld [tilespmem:s22+$0x70];
	_ =	sdelay $0x2  }
0x1e1: {  	s15 =	sadd.s32 s15, s6  }
0x1e2: {  	s15 =	smul.u32 $0x640, s15  }
0x1e3: {  	v0 =	vadd.f32 v1, v0  }
0x1e4: {  	s15 =	sadd.s32 s2, s15  }
0x1e5: {  	s25 =	sadd.s32 $0xC80, s15;
	[tilespmem:s17+$0x70] =	vst v0  }
0x1e6: {  	[hbm4b:s25+s3] =	stream.linear.scatter [tilespmem:s29], [sflag:$0x5], $0x3200, $0x38;
	[tilespmem:$0x1C600] =	vst v63  }
0x1e7: {  	s18 =	simm.s32 @!p0 $0x64;
	s19 =	simm.s32 @!p0 $0xFE00;
	s17 =	sadd.s32 @!p0 $0x4E0, s16  }
0x1e8: {  	[tilespmem:s19], [sflag:$0x3] =	stream.indirect.gather @!p0 [hbm4b:s4+s18], $0x40, s17, s18, $0xb8;
	[tilespmem:$0x1C600] =	vst v63  }
0x1e9: {  	s16 =	sadd.s32 @!p0 $0x548, s16;
	s17 =	simm.s32 @!p0 $0x11700  }
0x1ea: {  	[tilespmem:s17], [sflag:$0x3] =	stream.indirect.gather @!p0 [hbm4b:s4+s18], $0x40, s16, s18, $0xb8;
	[tilespmem:$0x1C600] =	vst v63  }
0x1eb: {  	_ =	swait.ge [sflag:s10], $0x1900  }
0x1ec: {  	[sflag:s10] =	ssyncset.done $0x0  }
0x1ed: {  	[sflag:s10] =	ssyncadd.s32 $0xFFFFE700  }
0x1ee: {  	_ =	swait.ge [sflag:s10], $0x1900  }
0x1ef: {  	[sflag:s10] =	ssyncset.done $0x0  }
0x1f0: {  	[sflag:s10] =	ssyncadd.s32 $0xFFFFE700  }
0x1f1: {  	_ =	swait.ge [sflag:s12], $0x3200  }
0x1f2: {  	[sflag:s12] =	ssyncset.done $0x0  }
0x1f3: {  	s17 =	simm.s32 $0x13080;
	[sflag:s12] =	ssyncadd.s32 $0xFFFFCE00  }
0x1f4: {  	s18 =	simm.s32 $0x6880;
	v0 =	vld [tilespmem:s17+$0xFFFFFF80]  }
0x1f5: {  	v1 =	vld [tilespmem:s18+$0xFFFFFF80];
	_ =	sdelay $0x4  }
0x1f6: {  	v0 =	vadd.f32 v1, v0  }
0x1f7: {  	s16 =	simm.s32 $0x19480  }
0x1f8: {  	[tilespmem:s16+$0xFFFFFF80] =	vst v0  }
0x1f9: {  	v0 =	vld [tilespmem:s18+$0xFFFFFF90]  }
0x1fa: {  	v1 =	vld [tilespmem:s17+$0xFFFFFF90];
	_ =	sdelay $0x4  }
0x1fb: {  	v0 =	vadd.f32 v0, v1;
	_ =	sdelay $0x1  }
0x1fc: {  	[tilespmem:s16+$0xFFFFFF90] =	vst v0  }
0x1fd: {  	v0 =	vld [tilespmem:s17+$0xFFFFFFA0]  }
0x1fe: {  	v1 =	vld [tilespmem:s18+$0xFFFFFFA0];
	_ =	sdelay $0x4  }
0x1ff: {  	v0 =	vadd.f32 v1, v0;
	_ =	sdelay $0x1  }
0x200: {  	[tilespmem:s16+$0xFFFFFFA0] =	vst v0  }
0x201: {  	v0 =	vld [tilespmem:s17+$0xFFFFFFB0]  }
0x202: {  	v1 =	vld [tilespmem:s18+$0xFFFFFFB0];
	_ =	sdelay $0x4  }
0x203: {  	v0 =	vadd.f32 v1, v0;
	_ =	sdelay $0x1  }
0x204: {  	[tilespmem:s16+$0xFFFFFFB0] =	vst v0  }
0x205: {  	v0 =	vld [tilespmem:s17+$0xFFFFFFC0]  }
0x206: {  	v1 =	vld [tilespmem:s18+$0xFFFFFFC0];
	_ =	sdelay $0x4  }
0x207: {  	v0 =	vadd.f32 v1, v0;
	_ =	sdelay $0x1  }
0x208: {  	[tilespmem:s16+$0xFFFFFFC0] =	vst v0  }
0x209: {  	v0 =	vld [tilespmem:s17+$0xFFFFFFD0]  }
0x20a: {  	v1 =	vld [tilespmem:s18+$0xFFFFFFD0];
	_ =	sdelay $0x4  }
0x20b: {  	v0 =	vadd.f32 v1, v0;
	_ =	sdelay $0x1  }
0x20c: {  	[tilespmem:s16+$0xFFFFFFD0] =	vst v0  }
0x20d: {  	v0 =	vld [tilespmem:s17+$0xFFFFFFE0]  }
0x20e: {  	v1 =	vld [tilespmem:s18+$0xFFFFFFE0];
	_ =	sdelay $0x4  }
0x20f: {  	v0 =	vadd.f32 v1, v0;
	_ =	sdelay $0x1  }
0x210: {  	[tilespmem:s16+$0xFFFFFFE0] =	vst v0  }
0x211: {  	v0 =	vld [tilespmem:s17+$0xFFFFFFF0]  }
0x212: {  	v1 =	vld [tilespmem:s18+$0xFFFFFFF0];
	_ =	sdelay $0x4  }
0x213: {  	v0 =	vadd.f32 v1, v0;
	_ =	sdelay $0x1  }
0x214: {  	[tilespmem:s16+$0xFFFFFFF0] =	vst v0  }
0x215: {  	v0 =	vld [tilespmem:s17+$0x0]  }
0x216: {  	v1 =	vld [tilespmem:s18+$0x0];
	_ =	sdelay $0x4  }
0x217: {  	v0 =	vadd.f32 v1, v0;
	_ =	sdelay $0x1  }
0x218: {  	[tilespmem:s16+$0x0] =	vst v0  }
0x219: {  	v0 =	vld [tilespmem:s17+$0x10]  }
0x21a: {  	v1 =	vld [tilespmem:s18+$0x10];
	_ =	sdelay $0x4  }
0x21b: {  	v0 =	vadd.f32 v1, v0;
	_ =	sdelay $0x1  }
0x21c: {  	[tilespmem:s16+$0x10] =	vst v0  }
0x21d: {  	v0 =	vld [tilespmem:s17+$0x20]  }
0x21e: {  	v1 =	vld [tilespmem:s18+$0x20];
	_ =	sdelay $0x4  }
0x21f: {  	v0 =	vadd.f32 v1, v0;
	_ =	sdelay $0x1  }
0x220: {  	[tilespmem:s16+$0x20] =	vst v0  }
0x221: {  	v0 =	vld [tilespmem:s17+$0x30]  }
0x222: {  	v1 =	vld [tilespmem:s18+$0x30];
	_ =	sdelay $0x4  }
0x223: {  	v0 =	vadd.f32 v1, v0;
	_ =	sdelay $0x1  }
0x224: {  	[tilespmem:s16+$0x30] =	vst v0  }
0x225: {  	v0 =	vld [tilespmem:s17+$0x40]  }
0x226: {  	v1 =	vld [tilespmem:s18+$0x40];
	_ =	sdelay $0x4  }
0x227: {  	v0 =	vadd.f32 v1, v0;
	_ =	sdelay $0x1  }
0x228: {  	[tilespmem:s16+$0x40] =	vst v0  }
0x229: {  	v0 =	vld [tilespmem:s17+$0x50]  }
0x22a: {  	v1 =	vld [tilespmem:s18+$0x50];
	_ =	sdelay $0x4  }
0x22b: {  	v0 =	vadd.f32 v1, v0;
	_ =	sdelay $0x1  }
0x22c: {  	[tilespmem:s16+$0x50] =	vst v0  }
0x22d: {  	s20 =	simm.s32 $0x13080;
	v0 =	vld [tilespmem:s17+$0x60]  }
0x22e: {  	s22 =	simm.s32 $0x19580;
	s21 =	simm.s32 $0x6880;
	s19 =	simm.s32 $0x0;
	v1 =	vld [tilespmem:s18+$0x60]  }
.LBB2_9:
0x22f: {  	s19 =	sadd.s32 $0x4, s19;
	s17 =	sadd.s32 $0x100, s17;
	s18 =	sadd.s32 $0x100, s18  }
0x230: {  	p1 =	slt.u32 s19, $0xC4;
	_ =	sdelay $0x2  }
0x231: {  	v0 =	vadd.f32 v1, v0;
	_ =	sdelay $0x1  }
0x232: {  	[tilespmem:s16+$0x60] =	vst v0  }
0x233: {  	v0 =	vld [tilespmem:s20+$0x70];
	s20 =	smov.u32 s17  }
0x234: {  	v1 =	vld [tilespmem:s21+$0x70];
	s21 =	smov.u32 s18;
	_ =	sdelay $0x4  }
0x235: {  	v0 =	vadd.f32 v1, v0;
	_ =	sdelay $0x1  }
0x236: {  	[tilespmem:s16+$0x70] =	vst v0;
	s16 =	smov.u32 s22  }
0x237: {  	v0 =	vld [tilespmem:s17+$0xFFFFFF80]  }
0x238: {  	v1 =	vld [tilespmem:s18+$0xFFFFFF80];
	_ =	sdelay $0x4  }
0x239: {  	v0 =	vadd.f32 v1, v0;
	_ =	sdelay $0x1  }
0x23a: {  	[tilespmem:s22+$0xFFFFFF80] =	vst v0  }
0x23b: {  	v0 =	vld [tilespmem:s18+$0xFFFFFF90]  }
0x23c: {  	v1 =	vld [tilespmem:s17+$0xFFFFFF90];
	_ =	sdelay $0x4  }
0x23d: {  	v0 =	vadd.f32 v0, v1;
	_ =	sdelay $0x1  }
0x23e: {  	[tilespmem:s22+$0xFFFFFF90] =	vst v0  }
0x23f: {  	v0 =	vld [tilespmem:s17+$0xFFFFFFA0]  }
0x240: {  	v1 =	vld [tilespmem:s18+$0xFFFFFFA0];
	_ =	sdelay $0x4  }
0x241: {  	v0 =	vadd.f32 v1, v0;
	_ =	sdelay $0x1  }
0x242: {  	[tilespmem:s22+$0xFFFFFFA0] =	vst v0  }
0x243: {  	v0 =	vld [tilespmem:s17+$0xFFFFFFB0]  }
0x244: {  	v1 =	vld [tilespmem:s18+$0xFFFFFFB0];
	_ =	sdelay $0x4  }
0x245: {  	v0 =	vadd.f32 v1, v0;
	_ =	sdelay $0x1  }
0x246: {  	[tilespmem:s22+$0xFFFFFFB0] =	vst v0  }
0x247: {  	v0 =	vld [tilespmem:s17+$0xFFFFFFC0]  }
0x248: {  	v1 =	vld [tilespmem:s18+$0xFFFFFFC0];
	_ =	sdelay $0x4  }
0x249: {  	v0 =	vadd.f32 v1, v0;
	_ =	sdelay $0x1  }
0x24a: {  	[tilespmem:s22+$0xFFFFFFC0] =	vst v0  }
0x24b: {  	v0 =	vld [tilespmem:s17+$0xFFFFFFD0]  }
0x24c: {  	v1 =	vld [tilespmem:s18+$0xFFFFFFD0];
	_ =	sdelay $0x4  }
0x24d: {  	v0 =	vadd.f32 v1, v0;
	_ =	sdelay $0x1  }
0x24e: {  	[tilespmem:s22+$0xFFFFFFD0] =	vst v0  }
0x24f: {  	v0 =	vld [tilespmem:s17+$0xFFFFFFE0]  }
0x250: {  	v1 =	vld [tilespmem:s18+$0xFFFFFFE0];
	_ =	sdelay $0x4  }
0x251: {  	v0 =	vadd.f32 v1, v0;
	_ =	sdelay $0x1  }
0x252: {  	[tilespmem:s22+$0xFFFFFFE0] =	vst v0  }
0x253: {  	v0 =	vld [tilespmem:s17+$0xFFFFFFF0]  }
0x254: {  	v1 =	vld [tilespmem:s18+$0xFFFFFFF0];
	_ =	sdelay $0x4  }
0x255: {  	v0 =	vadd.f32 v1, v0;
	_ =	sdelay $0x1  }
0x256: {  	[tilespmem:s22+$0xFFFFFFF0] =	vst v0  }
0x257: {  	v0 =	vld [tilespmem:s17+$0x0]  }
0x258: {  	v1 =	vld [tilespmem:s18+$0x0];
	_ =	sdelay $0x4  }
0x259: {  	v0 =	vadd.f32 v1, v0;
	_ =	sdelay $0x1  }
0x25a: {  	[tilespmem:s22+$0x0] =	vst v0  }
0x25b: {  	v0 =	vld [tilespmem:s17+$0x10]  }
0x25c: {  	v1 =	vld [tilespmem:s18+$0x10];
	_ =	sdelay $0x4  }
0x25d: {  	v0 =	vadd.f32 v1, v0;
	_ =	sdelay $0x1  }
0x25e: {  	[tilespmem:s22+$0x10] =	vst v0  }
0x25f: {  	v0 =	vld [tilespmem:s17+$0x20]  }
0x260: {  	v1 =	vld [tilespmem:s18+$0x20];
	_ =	sdelay $0x4  }
0x261: {  	v0 =	vadd.f32 v1, v0;
	_ =	sdelay $0x1  }
0x262: {  	[tilespmem:s22+$0x20] =	vst v0  }
0x263: {  	v0 =	vld [tilespmem:s17+$0x30]  }
0x264: {  	v1 =	vld [tilespmem:s18+$0x30];
	_ =	sdelay $0x4  }
0x265: {  	v0 =	vadd.f32 v1, v0;
	_ =	sdelay $0x1  }
0x266: {  	[tilespmem:s22+$0x30] =	vst v0  }
0x267: {  	v0 =	vld [tilespmem:s17+$0x40]  }
0x268: {  	v1 =	vld [tilespmem:s18+$0x40];
	_ =	sdelay $0x4  }
0x269: {  	v0 =	vadd.f32 v1, v0;
	_ =	sdelay $0x1  }
0x26a: {  	[tilespmem:s22+$0x40] =	vst v0  }
0x26b: {  	v0 =	vld [tilespmem:s17+$0x50]  }
0x26c: {  	v1 =	vld [tilespmem:s18+$0x50];
	_ =	sdelay $0x4  }
.Ltmp5:
0x26d: {  	v0 =	vadd.f32 v1, v0;
	(pc) =	sbr.rel @p1 .LBB2_9-.Ltmp5, $4  }
0x26e: {  	_ = 	snop  }
0x26f: {  	[tilespmem:s22+$0x50] =	vst v0  }
0x270: {  	v0 =	vld [tilespmem:s17+$0x60]  }
0x271: {  	s22 =	sadd.s32 $0x100, s22;
	v1 =	vld [tilespmem:s18+$0x60]  }
0x272: {  	_ =	sdelay $0x3  }
0x273: {  	v0 =	vadd.f32 v1, v0;
	_ =	sdelay $0x1  }
0x274: {  	[tilespmem:s16+$0x60] =	vst v0  }
0x275: {  	v0 =	vld [tilespmem:s20+$0x70]  }
0x276: {  	v63 =	vld [tilespmem:s21+$0x70];
	_ =	sdelay $0x3  }
.Ltmp6:
0x277: {  	_ = 	snop;
	(pc) =	sbr.rel @p0 .LBB2_12-.Ltmp6, $3  }
0x278: {  	v0 =	vadd.f32 v63, v0;
	_ =	sdelay $0x1  }
0x279: {  	s15 =	sadd.s32 $0x12C0, s15;
	[tilespmem:s16+$0x70] =	vst v0  }
0x27a: {  	[hbm4b:s15+s3] =	stream.linear.scatter [tilespmem:s31], [sflag:$0x6], $0x3200, $0x38;
	[tilespmem:$0x1C600] =	vst v63  }
0x27b: {  	s15 =	smul.u32 $0xD00, s14;
	_ =	sdelay $0x1  }
.Ltmp7:
0x27c: {  	s15 =	sshra.s32 s15, $0x2;
	(pc) =	sbr.rel .LBB2_2-.Ltmp7, $4  }
0x27d: {  	s16 =	sadd.s32 $0x5B0, s15  }
0x27e: {  	[tilespmem:s24], [sflag:$0x4] =	stream.indirect.gather [hbm4b:s4+s11], $0x40, s16, s11, $0xb8;
	[tilespmem:$0x1C600] =	vst v63  }
0x27f: {  	s14 =	sadd.s32 $0x1, s14;
	s15 =	sadd.s32 $0x618, s15  }
0x280: {  	[tilespmem:s26], [sflag:$0x4] =	stream.indirect.gather [hbm4b:s4+s11], $0x40, s15, s11, $0xb8;
	[tilespmem:$0x1C600] =	vst v63  }
.LBB2_13:
0x281: {  	_ =	sfence.sel $0x180000  }
0x282: {  	[bflag:$0x0] =	sbarrier.arrive $0xFFFF  }
0x283: {  	_ =	strace $0x90000047  }
0x284: {  	s0 =	stileid.u32;
	[bflag:$0x2] =	sbarrier.arrive $0xFFFF  }
0x285: {  	p0 =	sne.s32 s0, $0x0;
	s0 =	rddreg [dreg:$0x2]  }
0x286: {  	s0 =	sadd.s32 @!p0 $0x100000, s0  }
0x287: {  	[sflag:s0] =	ssyncadd.tile.s32 @!p0 $0x1;
	_ =	shalt  }
.Lfunc_end2:
_tile_overlayer_lowered:
.L_overlay_start_2:
0x288: {  	(tag) =	ssettag $0x2  }
0x289: {  	s0 =	rddreg [dreg:$0x0];
	s2 =	stileid.u32  }
0x28a: {  	s1 =	rddreg [dreg:$0x1];
	p0 =	sne.s32 s2, $0x0  }
0x28b: {  	s3 =	rddreg [dreg:$0x2];
	[bflag:$0x3] =	sbarrier.arrive $0xFFFF;
	s2 =	simm.s32 @!p0 $0x1C07  }
0x28c: {  	[timem:s3], [sflag:s2] =	dma.local @!p0 [hbm:s0], s1  }
0x28d: {  	s0 =	simm.s32 @!p0 $0x7  }
0x28e: {  	_ =	swait.ge @!p0 [sflag:s0], s1  }
0x28f: {  	s1 =	ssub.s32 @!p0 $0x0, s1;
	[sflag:s0] =	ssyncset.done @!p0 $0x0  }
0x290: {  	[sflag:s0] =	ssyncadd.s32 @!p0 s1  }
0x291: {  	[bflag:$0x3] =	sbarrier.arrive $0xFFFF  }
0x292: {  	_ =	shalt  }

// kernel: sparse-core-data-format-call.cloned.1.call-start
scs
called_computation_lowered:
.L_overlay_start_0:
0x0: {  	s2 =	sld [smem:$0x3FD9]  }
0x1: {  	s3 =	sld [smem:$0x3FFE];
	_ =	sdelay $0x1  }
0x2: {  	s1 =	srdreg.scid  }
0x3: {  	s0 =	sand.u32 $0x1, s1  }
0x4: {  	s18 =	sshll.u32 s0, $0xA;
	s2 =	sadd.s32 s3, s2  }
0x5: {  	s2 =	sadd.s32 s2, s18  }
0x6: {  	[smem:$0x3FC5] =	sst s2  }
0x7: {  	_ = 	snop  }
0x8: {  	s2 =	sld [smem:$0x3FD0];
	(tm) =	ssettm $0x1  }
0x9: {  	s19 =	sld [smem:$0x3FFB];
	_ =	sdelay $0x3  }
0xa: {  	_ =	strace s19  }
0xb: {  	s3 =	sld [smem:$0x3FFC];
	_ =	sdelay $0x3  }
0xc: {  	_ =	strace s3  }
0xd: {  	s3 =	sld [smem:$0x3FFD];
	_ =	sdelay $0x3  }
0xe: {  	_ =	strace s3  }
0xf: {  	_ =	strace $0x8FFFFFFF  }
0x10: {  	s20 =	sld [smem:$0x3FDB];
	_ =	sdelay $0x1  }
0x11: {  	s4 =	simm.s32 $_scs_section_size  }
0x12: {  	s5 =	simm.s32 $_size__tile_overlayer_lowered;
	s6 =	simm.s32 $_tile_overlayer_lowered  }
0x13: {  	s23 =	simm.s32 $0x1BFF;
	s22 =	sshll.u32 s6, $0x1;
	s3 =	sadd.s32 s4, s20  }
0x14: {  	s7 =	simm.s32 $0x0;
	s21 =	sshll.u32 s5, $0x1;
	s5 =	sadd.s32 s22, s3  }
0x15: {  	[timem:s7], [sflag:s23] =	dma.local [hbm:s5], s21  }
0x16: {  	_ =	swait.ge [sflag:s23], s21  }
0x17: {  	s4 =	ssub.s32 $0x0, s21;
	[sflag:s23] =	ssyncset.done $0x0  }
0x18: {  	[sflag:s23] =	ssyncadd.s32 s4;
	_ =	sdelay $0x1  }
0x19: {  	s24 =	simm.s32 $0x1B8B  }
0x1a: {  	_ =	swait.ge [sflag:s24], $0x1  }
0x1b: {  	[sflag:s24] =	ssyncset.done $0x0  }
0x1c: {  	s26 =	simm.s32 $0x1B8E;
	s25 =	sld [smem:$0x3FFE];
	[sflag:s24] =	ssyncadd.s32 $0xFFFFFFFF  }
0x1d: {  	s27 =	simm.s32 $execute0_lowered;
	[smem:$0x3FD2] =	sst s26  }
0x1e: {  	s5 =	sshll.u32 s27, $0x1;
	_ =	strace $0x80000049;
	[dreg:$0x1] =	wrdreg $0xFFFFFFFF  }
0x1f: {  	s28 =	simm.s32 $_size_execute0_lowered;
	s3 =	sadd.s32 s3, s5;
	[dreg:$0x0] =	wrdreg $0x0  }
0x20: {  	s5 =	sshll.u32 s28, $0x1;
	[dreg:$0x2] =	wrdreg s3  }
0x21: {  	[dreg:$0x3] =	wrdreg s5  }
0x22: {  	[dreg:$0x4] =	wrdreg $0xC0  }
0x23: {  	_ =	task [dreg:s7], $0x5FFFF  }
0x24: {  	[dreg:$0x1] =	wrdreg $0xFFFFFFFF  }
0x25: {  	[dreg:$0x0] =	wrdreg $0x60  }
0x26: {  	[dreg:$0x2] =	wrdreg s25  }
0x27: {  	[dreg:$0x3] =	wrdreg s2  }
0x28: {  	[dreg:$0x4] =	wrdreg $0x9  }
0x29: {  	_ =	task.clear_ibuf [dreg:s7], $0x5FFFF;
	_ =	strace $0x90000049  }
0x2a: {  	s29 =	simm.s32 $0x9;
	_ =	strace $0x8000004B  }
0x2b: {  	_ =	swait.ge [sflag:s29], $0x1  }
0x2c: {  	[sflag:s29] =	ssyncadd.s32 $0xFFFFFFFF  }
0x2d: {  	_ =	strace $0x9000004B  }
0x2e: {  	_ =	sfence  }
0x2f: {  	s30 =	sld [smem:$0x0];
	_ =	sdelay $0x2  }
0x30: {  	s31 =	sshll.u32 s1, $0xD;
	s1 =	sshrl.u32 s1, $0x2  }
0x31: {  	s3 =	sand.u32 $0x4000, s31;
	s1 =	sadd.s32 s1, s30  }
0x32: {  	s0 =	sor.u32 s3, s0;
	s1 =	sshll.u32 s1, $0x11  }
0x33: {  	s0 =	sor.u32 s1, s0  }
0x34: {  	s0 =	sadd.s32 $0x8F2B, s0  }
0x35: {  	[sflag:s0] =	ssyncadd.remote.s32 $0x1  }
0x36: {  	_ =	sfence.sel $0xFFFF  }
0x37: {  	[dreg:$0x0] =	wrdreg $0xFFFFFFFF;
	(pc) =	sbr.abs _section_cstart, $3  }
0x38: {  	[dreg:$0x1] =	wrdreg $0xFFFFFFFF  }
0x39: {  	_ =	task.clear_ibuf [dreg:s7], $0x2FFFF;
	_ =	strace $0x9FFFFFFF  }
0x3a: {  	(tm) =	ssettm $0x7FFFFFFF  }
0x3b: {  	_ =	shalt  }
tec
execute0_lowered:
.L_overlay_start_1:
0x0: {  	(tag) =	ssettag $0x1  }
0x1: {  	s0 =	srdreg.scid  }
0x2: {  	s1 =	sshll.u32 s0, $0x4  }
0x3: {  	s4 =	rddreg [dreg:$0x0];
	s0 =	stileid.u32;
	s1 =	sand.u32 $0x10, s1  }
0x4: {  	s2 =	rddreg [dreg:$0x1];
	s7 =	simm.s32 $0x1;
	s1 =	sor.u32 s0, s1  }
0x5: {  	s8 =	simm.s32 $0x2;
	s11 =	simm.s32 $0x0;
	s3 =	sshll.u32 s1, $0x7  }
0x6: {  	s10 =	simm.s32 $0x0;
	s4 =	sadd.s32 $0xC00, s4;
	s6 =	ssub.s32 $0xC8000, s3  }
.Ltmp0:
0x7: {  	s1 =	rddreg [dreg:$0x2];
	s5 =	sand.u32 $0xF80, s6;
	(pc) =	sbr.rel .LBB1_1-.Ltmp0, $4  }
0x8: {  	_ =	strace $0x8000004A;
	s9 =	smov.u32 s3;
	p0 =	sne.s32 s5, $0x0  }
0x9: {  	s6 =	sshrl.u32 s6, $0xC;
	s5 =	simm.s32 $0x1;
	s7 =	simm.s32 @!p0 $0x0  }
0xa: {  	[sflag:s5] =	ssyncpa.u1 $0x0;
	p0 =	por $0x0, $0x0;
	s6 =	sadd.s32 s7, s6  }
0xb: {  	[sflag:s8] =	ssyncpa.u1 $0x0;
	s8 =	simm.s32 $0x640000;
	s7 =	sadd.s32 $0x1, s6  }
.LBB1_4:
0xc: {  	s14 =	sshll.u32 s11, $0x3  }
0xd: {  	s30 =	sand.u32 $0x7F, s11;
	s15 =	sand.u32 $0xFFFFFC00, s14  }
0xe: {  	s11 =	sor.u32 s30, s15  }
0xf: {  	s15 =	smulhi.u32 $0x51EB851F, s11  }
0x10: {  	s14 =	smulhi.u32 $0x51EB851F, s14  }
0x11: {  	s15 =	sshrl.u32 s15, $0x12  }
0x12: {  	s14 =	sshrl.u32 s14, $0x12;
	s15 =	smul.u32 $0xC8000, s15  }
0x13: {  	s14 =	sand.u32 $0x3F, s14  }
0x14: {  	s14 =	smul.u32 $0x19000, s14;
	s11 =	ssub.s32 s11, s15  }
0x15: {  	[tilespmem:s13+$0x810 ss:$0x81] =	vst.msk $0xffff, v2;
	s15 =	sand.u32 $0x7, s11  }
0x16: {  	[tilespmem:s13+$0x1020 ss:$0x81] =	vst.msk $0xffff, v0;
	s14 =	sadd.s32 s2, s14;
	s11 =	sshrl.u32 s11, $0x3;
	s15 =	sshll.u32 s15, $0x12  }
0x17: {  	[tilespmem:s13+$0x0 ss:$0x81] =	vst.msk $0xffff, v1;
	s11 =	sadd.s32 s11, s14;
	s31 =	sor.u32 $0x400, s15  }
0x18: {  	[hbm4b:s11+s31] =	stream.strided.scatter [tilespmem:s12], [sflag:$0x2], $0x2000, s8, s31, $0x20;
	[tilespmem:$0x8080] =	vst v63  }
.LBB1_5:
0x19: {  	s13 =	sadd.s32 $0x1000, s9  }
0x1a: {  	p2 =	sgt.s32 s13, $0xC7FFF  }
0x1b: {  	s13 =	smov.u32 @p2 s3;
	p2 =	sne.s32 s10, s7  }
.Ltmp1:
0x1c: {  	p1 =	slt.u32 s10, $0x2;
	(pc) =	sbr.rel @!p2 .LBB1_6-.Ltmp1, $4  }
0x1d: {  	s12 =	simm.s32 @!p1 $0x2  }
0x1e: {  	s14 =	sadd.s32 $0x1, s10;
	_ =	swait.ge @!p1 [sflag:s12], $0x2000  }
0x1f: {  	s11 =	smov.u32 s9;
	p0 =	por !p0, !p0;
	[sflag:s12] =	ssyncset.done @!p1 $0x0  }
0x20: {  	s10 =	smov.u32 s14;
	s9 =	smov.u32 s13;
	[sflag:s12] =	ssyncadd.s32 @!p1 $0xFFFFE000  }
.LBB1_1:
0x21: {  	p1 =	sge.u32 s10, s6  }
0x22: {  	s12 =	sand.u32 @!p1 $0x1FFFFFF, s9  }
0x23: {  	s13 =	smulhi.u32 @!p1 $0x147AE15, s12;
	_ =	sdelay $0x1  }
0x24: {  	s13 =	sshrl.u32 @!p1 s13, $0xC  }
0x25: {  	s13 =	smul.u32 @!p1 $0xC8000, s13;
	_ =	sdelay $0x1  }
0x26: {  	s31 =	sadd.s32 $0xFFFFFFFF, s10;
	s14 =	sxor.u32 @!p1 $0xFFFFFFFF, s10;
	s12 =	ssub.s32 @!p1 s12, s13  }
0x27: {  	s15 =	simm.s32 @!p1 $0x80;
	s14 =	sshll.u32 @!p1 s14, $0xD;
	s12 =	sshll.u32 @!p1 s12, $0x4  }
0x28: {  	s13 =	sand.u32 @!p1 $0x2000, s14;
	s14 =	simm.s32 @!p1 $0x40;
	s12 =	sadd.s32 @!p1 s4, s12  }
0x29: {  	[tilespmem:s13], [sflag:$0x1] =	stream.strided.gather @!p1 [hbm4b:s12+s14], $0x2000, s15, s14, $0x38;
	[tilespmem:$0x8080] =	vst v63  }
0x2a: {  	p1 =	sge.u32 s31, s6  }
.Ltmp2:
0x2b: {  	_ = 	snop;
	(pc) =	sbr.rel @p1 .LBB1_5-.Ltmp2, $1  }
0x2c: {  	_ =	sdelay $0x3  }
0x2d: {  	s12 =	simm.s32 $0x1  }
0x2e: {  	_ =	swait.ge [sflag:s5], $0x2000;
	s12 =	simm.s32 @!p0 $0x0  }
0x2f: {  	[sflag:s5] =	ssyncset.done $0x0;
	s13 =	sshll.u32 s12, $0xD  }
0x30: {  	[sflag:s5] =	ssyncadd.s32 $0xFFFFE000;
	s16 =	sor.u32 $0x20, s13  }
0x31: {  	s12 =	smul.u32 $0x8100, s12;
	v3 =	vld [tilespmem:s16+$0x10]  }
0x32: {  	s30 =	sand.u32 $0x1, s10;
	v2 =	vld [tilespmem:s16+$0xFFFFFFF0]  }
0x33: {  	s13 =	smul.u32 $0x8100, s30;
	s12 =	sshrl.u32 s12, $0x2;
	v0 =	vld [tilespmem:s16+$0x0]  }
0x34: {  	v1 =	vld [tilespmem:s16+$0xFFFFFFE0];
	s14 =	sor.u32 $0x4000, s12  }
0x35: {  	s31 =	sshrl.u32 s13, $0x2;
	s13 =	sadd.s32 $0x0, s14  }
0x36: {  	s15 =	simm.s32 $0x4;
	s16 =	sadd.s32 $0x40, s16;
	s12 =	sor.u32 $0x4000, s31;
	[tilespmem:s13+$0x1830 ss:$0x81] =	vst.msk $0xffff, v3  }
.LBB1_3:
0x37: {  	v3 =	vld [tilespmem:s16+$0x10];
	p1 =	sne.s32 s15, $0x1FC;
	[tilespmem:s13+$0x810 ss:$0x81] =	vst.msk $0xffff, v2;
	s17 =	smov.u32 s15;
	s15 =	sadd.s32 $0x4, s15  }
.Ltmp3:
0x38: {  	v2 =	vld [tilespmem:s16+$0xFFFFFFF0];
	[tilespmem:s13+$0x1020 ss:$0x81] =	vst.msk $0xffff, v0;
	(pc) =	sbr.rel @p1 .LBB1_3-.Ltmp3, $4  }
0x39: {  	v0 =	vld [tilespmem:s16+$0x0];
	[tilespmem:s13+$0x0 ss:$0x81] =	vst.msk $0xffff, v1  }
0x3a: {  	s13 =	sshra.s32 s17, $0x2;
	v1 =	vld [tilespmem:s16+$0xFFFFFFE0]  }
0x3b: {  	s13 =	sadd.s32 s13, s14  }
0x3c: {  	s16 =	sadd.s32 $0x40, s16;
	[tilespmem:s13+$0x1830 ss:$0x81] =	vst.msk $0xffff, v3  }
.Ltmp4:
0x3d: {  	_ = 	snop;
	(pc) =	sbr.rel .LBB1_4-.Ltmp4, $1  }
0x3e: {  	_ =	sdelay $0x3  }
.LBB1_6:
0x3f: {  	_ =	sfence.sel $0x180000  }
0x40: {  	s2 =	simm.s32 $0x1;
	[bflag:$0x0] =	sbarrier.arrive $0xFFFF  }
0x41: {  	s31 =	simm.s32 $0x2;
	[sflag:s2] =	ssyncpa.u1 $0x1  }
0x42: {  	[sflag:s31] =	ssyncpa.u1 $0x1  }
0x43: {  	p0 =	sne.s32 s0, $0x0;
	_ =	strace $0x9000004A  }
0x44: {  	s0 =	sadd.s32 @!p0 $0x100000, s1;
	[bflag:$0x2] =	sbarrier.arrive $0xFFFF  }
0x45: {  	[sflag:s0] =	ssyncadd.tile.s32 @!p0 $0x1;
	_ =	shalt  }
.Lfunc_end1:
_tile_overlayer_lowered:
.L_overlay_start_2:
0x46: {  	(tag) =	ssettag $0x2  }
0x47: {  	s0 =	rddreg [dreg:$0x0];
	s2 =	stileid.u32  }
0x48: {  	s1 =	rddreg [dreg:$0x1];
	p0 =	sne.s32 s2, $0x0  }
0x49: {  	s3 =	rddreg [dreg:$0x2];
	[bflag:$0x3] =	sbarrier.arrive $0xFFFF;
	s2 =	simm.s32 @!p0 $0x1C01  }
0x4a: {  	[timem:s3], [sflag:s2] =	dma.local @!p0 [hbm:s0], s1  }
0x4b: {  	s0 =	simm.s32 @!p0 $0x1  }
0x4c: {  	_ =	swait.ge @!p0 [sflag:s0], s1  }
0x4d: {  	s1 =	ssub.s32 @!p0 $0x0, s1;
	[sflag:s0] =	ssyncset.done @!p0 $0x0  }
0x4e: {  	[sflag:s0] =	ssyncadd.s32 @!p0 s1  }
0x4f: {  	[bflag:$0x3] =	sbarrier.arrive $0xFFFF  }
0x50: {  	_ =	shalt  }

</sc_bundles>
